<compile_context>
chip_gen: v7x
topology: tpu7x:2x2x1
jax: 0.10.2.dev20260603
libtpu: 0.0.44.dev20260713+nightly
codegen_flags: <defaults>
</compile_context>

<pallas_src>
import functools

import jax
import jax.numpy as jnp
import numpy as np
from jax import lax
from jax.experimental import pallas as pl
from jax.experimental.pallas import tpu as pltpu
from jax.experimental.pallas import tpu_sc as plsc

NC, NS, L = 2, 16, 16
NW = NC * NS
NBINS = 256
NCH = 3
IMG = 512 * 512
IMG3 = NCH * IMG
CH = 16384
CHUNKS = IMG3 // CH
CH_PER_PLANE = IMG // CH
GROUPS = CH // L
UNROLL = 8
ACC = NCH * NBINS * L
PROW = NCH * NBINS
SCALE = np.float32(256.0 / 255.0)


def _sc_hist(in_hbm, out_hbm, buf, acc, orow, sem0, sem1):
    wid = lax.axis_index("s") * NC + lax.axis_index("c")
    base = wid * IMG3
    sems = (sem0, sem1)
    lane = jax.lax.iota(jnp.int32, 16)
    ones = jnp.full((16,), 1.0, jnp.float32)

    def copy(ch, b):
        return pltpu.make_async_copy(
            in_hbm.at[pl.ds(base + ch * CH, CH)], buf.at[b], sems[b])

    def zbody(j, _):
        for u in range(UNROLL):
            acc[pl.ds((j * UNROLL + u) * L, L)] = jnp.zeros((16,), jnp.float32)
        return 0
    lax.fori_loop(0, ACC // L // UNROLL, zbody, 0)

    copy(0, 0).start()
    copy(1, 1).start()

    def process(b, coff):
        bvec = lane + coff

        def gbody(j, _):
            for u in range(UNROLL):
                v = buf[b, pl.ds((j * UNROLL + u) * L, L)]
                y = (v * jnp.float32(255.0)) * SCALE
                idx = y.astype(jnp.int32)
                idx = lax.max(lax.min(idx, 255), 0)
                addr = idx * L + bvec
                plsc.addupdate_scatter(acc, (addr,), ones)
            return 0
        lax.fori_loop(0, GROUPS // UNROLL, gbody, 0)

    def ring(t, last):
        for b in range(2):
            ch = t * 2 + b
            copy(ch, b).wait()
            coff = (ch // CH_PER_PLANE) * (NBINS * L)
            process(b, coff)
            if not last:
                copy(ch + 2, b).start()

    lax.fori_loop(0, CHUNKS // 2 - 1, lambda t, _: (ring(t, False), 0)[1], 0)
    ring(CHUNKS // 2 - 1, True)

    def rbody(j, _):
        rbase = j * L * L + lane * L
        s = plsc.load_gather(acc, (rbase,))
        for l in range(1, L):
            s = s + plsc.load_gather(acc, (rbase + l,))
        orow[pl.ds(j * L, L)] = s
        return 0
    lax.fori_loop(0, PROW // L, rbody, 0)

    pltpu.sync_copy(orow, out_hbm.at[wid])


@functools.partial(jax.jit, static_argnums=())
def _sc_partials(flat):
    mesh = plsc.VectorSubcoreMesh(core_axis_name="c", subcore_axis_name="s")
    f = pl.kernel(
        _sc_hist,
        out_type=jax.ShapeDtypeStruct((NW, PROW), jnp.float32),
        mesh=mesh,
        scratch_types=[
            pltpu.VMEM((2, CH), jnp.float32),
            pltpu.VMEM((ACC,), jnp.float32),
            pltpu.VMEM((PROW,), jnp.float32),
            pltpu.SemaphoreType.DMA,
            pltpu.SemaphoreType.DMA,
        ],
        compiler_params=pltpu.CompilerParams(needs_layout_passes=False),
    )
    return f(flat)


def _tc_reduce_body(p_ref, o_ref):
    o_ref[...] = jnp.sum(p_ref[...], axis=0, keepdims=True)


def kernel(batchsize, input):
    flat = jnp.reshape(input, (-1,))
    partials = _sc_partials(flat)
    sums = pl.pallas_call(
        _tc_reduce_body,
        out_shape=jax.ShapeDtypeStruct((1, PROW), jnp.float32),
    )(partials)[0]
    count_r = sums[:NBINS]
    count_g = sums[NBINS:2 * NBINS]
    count_b = sums[2 * NBINS:]
    hist_r_counts = partials[batchsize - 1, :NBINS]
    bins = jnp.linspace(0.0, 255.0, 257)
    return ((hist_r_counts, bins), count_r, count_g, count_b)

# --- scband reference (transcript-rebuilt; emitter-appended) ---
"""Pipeline reference for scband-get-histogram-10995116278399 (READ-ONLY COPY).

The authoritative reference and input builder live on the scoring server;
editing this copy changes nothing except your own understanding.
"""

import jax, jax.numpy as jnp
import numpy as np


def _hist256(v):
    # np.histogram(v, 256, range=[0,255]) equivalent: 256 equal bins over [0,255],
    # last bin right-edge inclusive. bin width = 255/256 -> idx = floor(v*256/255).
    idx = jnp.clip(jnp.floor(v * (256.0 / 255.0)).astype(jnp.int32), 0, 255)
    counts = jnp.zeros((256,), dtype=jnp.float32).at[idx.ravel()].add(1.0)
    return counts


def setup_inputs(seed: int = 0) -> dict:
    key = jax.random.key(seed)
    batchsize = 32
    inp = jax.random.uniform(key, (32, 3, 512, 512), dtype=jnp.float32)
    return {"batchsize": batchsize, "input": inp}


def reference(batchsize, input):
    # x = input * 255 for every image j; accumulate per-channel 256-bin histograms.
    n = input.shape[0]
    x = input[:n] * 255.0
    count_r = _hist256(x[:, 0, :, :])
    count_g = _hist256(x[:, 1, :, :])
    count_b = _hist256(x[:, 2, :, :])
    # hist_r from the last loop iteration (j = batchsize-1), red channel
    hist_r_counts = _hist256(x[batchsize - 1, 0, :, :])
    bins = jnp.linspace(0.0, 255.0, 257)
    hist_r = (hist_r_counts, bins)
    return (hist_r, count_r, count_g, count_b)

if __name__ == "__main__":
    import jax
    _d = setup_inputs()
    print(jax.jit(kernel)(*tuple(_d.values())))

</pallas_src>

<mosaic_0001>
#map = affine_map<(d0, d1) -> (0)>
#map1 = affine_map<(d0, d1) -> (0, 0)>
module attributes {stable_mosaic.version = 14 : i64} {
  func.func @_sc_hist(%arg0: i32, %arg1: i32, %arg2: memref<25165824xf32, #tpu.memory_space<hbm>>, %arg3: memref<32x768xf32, #tpu.memory_space<hbm>>, %arg4: memref<2x16384xf32, #tpu.memory_space<vmem>>, %arg5: memref<12288xf32, #tpu.memory_space<vmem>>, %arg6: memref<768xf32, #tpu.memory_space<vmem>>, %arg7: memref<!tpu.dma_semaphore, #tpu.memory_space<semaphore_mem>>, %arg8: memref<!tpu.dma_semaphore, #tpu.memory_space<semaphore_mem>>) attributes {dimension_semantics = [#tpu.dimension_semantics<core_parallel>, #tpu.dimension_semantics<subcore_parallel>], iteration_bounds = array<i64: 2, 16>, scalar_prefetch = 0 : i64, scratch_operands = 5 : i64, tpu.core_type = #tpu.core_type<sc_vector_subcore>, window_params = [{transform_indices = #map}, {transform_indices = #map1}]} {
    %mul3A = arith.constant 2 : i32
    %mul3A_0 = arith.muli %arg1, %mul3A : i32
    %add3A = arith.addi %mul3A_0, %arg0 : i32
    %mul3A_1 = arith.constant 786432 : i32
    %mul3A_2 = arith.muli %add3A, %mul3A_1 : i32
    %iota3A = tpu.iota {dimensions = array<i32: 0>} : vector<16xi32>
    %broadcast_in_dim3A = arith.constant 1.000000e+00 : f32
    %broadcast_in_dim3A_3 = vector.broadcast %broadcast_in_dim3A : f32 to vector<16xf32>
    %scan3A = arith.constant 0 : i32
    %scan3A_4 = arith.constant 0 : i32
    %scan3A_5 = arith.constant 96 : i32
    %scan3A_6 = arith.addi %scan3A_4, %scan3A_5 : i32
    %scan3A_7 = arith.constant 1 : i32
    %scan3A_8 = scf.for %scan3A_86 = %scan3A_4 to %scan3A_6 step %scan3A_7 iter_args(%scan3A_87 = %scan3A) -> (i32)  : i32 {
      %broadcast_in_dim3A_88 = arith.constant 0.000000e+00 : f32
      %broadcast_in_dim3A_89 = vector.broadcast %broadcast_in_dim3A_88 : f32 to vector<16xf32>
      %mul3A_90 = arith.constant 8 : i32
      %mul3A_91 = arith.muli %scan3A_86, %mul3A_90 : i32
      %add3A_92 = arith.constant 0 : i32
      %add3A_93 = arith.addi %mul3A_91, %add3A_92 : i32
      %mul3A_94 = arith.constant 16 : i32
      %mul3A_95 = arith.muli %add3A_93, %mul3A_94 : i32
      %swap3A = arith.index_cast %mul3A_95 : i32 to index
      %swap3A_96 = tpu.vector_load %arg5[%swap3A] {strides = array<i32>} : memref<12288xf32, #tpu.memory_space<vmem>>, vector<16xf32>,
      tpu.vector_store %arg5[%swap3A], %broadcast_in_dim3A_89 {strides = array<i32>} : memref<12288xf32, #tpu.memory_space<vmem>>, vector<16xf32>,
      %broadcast_in_dim3A_97 = arith.constant 0.000000e+00 : f32
      %broadcast_in_dim3A_98 = vector.broadcast %broadcast_in_dim3A_97 : f32 to vector<16xf32>
      %mul3A_99 = arith.constant 8 : i32
      %mul3A_100 = arith.muli %scan3A_86, %mul3A_99 : i32
      %add3A_101 = arith.constant 1 : i32
      %add3A_102 = arith.addi %mul3A_100, %add3A_101 : i32
      %mul3A_103 = arith.constant 16 : i32
      %mul3A_104 = arith.muli %add3A_102, %mul3A_103 : i32
      %swap3A_105 = arith.index_cast %mul3A_104 : i32 to index
      %swap3A_106 = tpu.vector_load %arg5[%swap3A_105] {strides = array<i32>} : memref<12288xf32, #tpu.memory_space<vmem>>, vector<16xf32>,
      tpu.vector_store %arg5[%swap3A_105], %broadcast_in_dim3A_98 {strides = array<i32>} : memref<12288xf32, #tpu.memory_space<vmem>>, vector<16xf32>,
      %broadcast_in_dim3A_107 = arith.constant 0.000000e+00 : f32
      %broadcast_in_dim3A_108 = vector.broadcast %broadcast_in_dim3A_107 : f32 to vector<16xf32>
      %mul3A_109 = arith.constant 8 : i32
      %mul3A_110 = arith.muli %scan3A_86, %mul3A_109 : i32
      %add3A_111 = arith.constant 2 : i32
      %add3A_112 = arith.addi %mul3A_110, %add3A_111 : i32
      %mul3A_113 = arith.constant 16 : i32
      %mul3A_114 = arith.muli %add3A_112, %mul3A_113 : i32
      %swap3A_115 = arith.index_cast %mul3A_114 : i32 to index
      %swap3A_116 = tpu.vector_load %arg5[%swap3A_115] {strides = array<i32>} : memref<12288xf32, #tpu.memory_space<vmem>>, vector<16xf32>,
      tpu.vector_store %arg5[%swap3A_115], %broadcast_in_dim3A_108 {strides = array<i32>} : memref<12288xf32, #tpu.memory_space<vmem>>, vector<16xf32>,
      %broadcast_in_dim3A_117 = arith.constant 0.000000e+00 : f32
      %broadcast_in_dim3A_118 = vector.broadcast %broadcast_in_dim3A_117 : f32 to vector<16xf32>
      %mul3A_119 = arith.constant 8 : i32
      %mul3A_120 = arith.muli %scan3A_86, %mul3A_119 : i32
      %add3A_121 = arith.constant 3 : i32
      %add3A_122 = arith.addi %mul3A_120, %add3A_121 : i32
      %mul3A_123 = arith.constant 16 : i32
      %mul3A_124 = arith.muli %add3A_122, %mul3A_123 : i32
      %swap3A_125 = arith.index_cast %mul3A_124 : i32 to index
      %swap3A_126 = tpu.vector_load %arg5[%swap3A_125] {strides = array<i32>} : memref<12288xf32, #tpu.memory_space<vmem>>, vector<16xf32>,
      tpu.vector_store %arg5[%swap3A_125], %broadcast_in_dim3A_118 {strides = array<i32>} : memref<12288xf32, #tpu.memory_space<vmem>>, vector<16xf32>,
      %broadcast_in_dim3A_127 = arith.constant 0.000000e+00 : f32
      %broadcast_in_dim3A_128 = vector.broadcast %broadcast_in_dim3A_127 : f32 to vector<16xf32>
      %mul3A_129 = arith.constant 8 : i32
      %mul3A_130 = arith.muli %scan3A_86, %mul3A_129 : i32
      %add3A_131 = arith.constant 4 : i32
      %add3A_132 = arith.addi %mul3A_130, %add3A_131 : i32
      %mul3A_133 = arith.constant 16 : i32
      %mul3A_134 = arith.muli %add3A_132, %mul3A_133 : i32
      %swap3A_135 = arith.index_cast %mul3A_134 : i32 to index
      %swap3A_136 = tpu.vector_load %arg5[%swap3A_135] {strides = array<i32>} : memref<12288xf32, #tpu.memory_space<vmem>>, vector<16xf32>,
      tpu.vector_store %arg5[%swap3A_135], %broadcast_in_dim3A_128 {strides = array<i32>} : memref<12288xf32, #tpu.memory_space<vmem>>, vector<16xf32>,
      %broadcast_in_dim3A_137 = arith.constant 0.000000e+00 : f32
      %broadcast_in_dim3A_138 = vector.broadcast %broadcast_in_dim3A_137 : f32 to vector<16xf32>
      %mul3A_139 = arith.constant 8 : i32
      %mul3A_140 = arith.muli %scan3A_86, %mul3A_139 : i32
      %add3A_141 = arith.constant 5 : i32
      %add3A_142 = arith.addi %mul3A_140, %add3A_141 : i32
      %mul3A_143 = arith.constant 16 : i32
      %mul3A_144 = arith.muli %add3A_142, %mul3A_143 : i32
      %swap3A_145 = arith.index_cast %mul3A_144 : i32 to index
      %swap3A_146 = tpu.vector_load %arg5[%swap3A_145] {strides = array<i32>} : memref<12288xf32, #tpu.memory_space<vmem>>, vector<16xf32>,
      tpu.vector_store %arg5[%swap3A_145], %broadcast_in_dim3A_138 {strides = array<i32>} : memref<12288xf32, #tpu.memory_space<vmem>>, vector<16xf32>,
      %broadcast_in_dim3A_147 = arith.constant 0.000000e+00 : f32
      %broadcast_in_dim3A_148 = vector.broadcast %broadcast_in_dim3A_147 : f32 to vector<16xf32>
      %mul3A_149 = arith.constant 8 : i32
      %mul3A_150 = arith.muli %scan3A_86, %mul3A_149 : i32
      %add3A_151 = arith.constant 6 : i32
      %add3A_152 = arith.addi %mul3A_150, %add3A_151 : i32
      %mul3A_153 = arith.constant 16 : i32
      %mul3A_154 = arith.muli %add3A_152, %mul3A_153 : i32
      %swap3A_155 = arith.index_cast %mul3A_154 : i32 to index
      %swap3A_156 = tpu.vector_load %arg5[%swap3A_155] {strides = array<i32>} : memref<12288xf32, #tpu.memory_space<vmem>>, vector<16xf32>,
      tpu.vector_store %arg5[%swap3A_155], %broadcast_in_dim3A_148 {strides = array<i32>} : memref<12288xf32, #tpu.memory_space<vmem>>, vector<16xf32>,
      %broadcast_in_dim3A_157 = arith.constant 0.000000e+00 : f32
      %broadcast_in_dim3A_158 = vector.broadcast %broadcast_in_dim3A_157 : f32 to vector<16xf32>
      %mul3A_159 = arith.constant 8 : i32
      %mul3A_160 = arith.muli %scan3A_86, %mul3A_159 : i32
      %add3A_161 = arith.constant 7 : i32
      %add3A_162 = arith.addi %mul3A_160, %add3A_161 : i32
      %mul3A_163 = arith.constant 16 : i32
      %mul3A_164 = arith.muli %add3A_162, %mul3A_163 : i32
      %swap3A_165 = arith.index_cast %mul3A_164 : i32 to index
      %swap3A_166 = tpu.vector_load %arg5[%swap3A_165] {strides = array<i32>} : memref<12288xf32, #tpu.memory_space<vmem>>, vector<16xf32>,
      tpu.vector_store %arg5[%swap3A_165], %broadcast_in_dim3A_158 {strides = array<i32>} : memref<12288xf32, #tpu.memory_space<vmem>>, vector<16xf32>,
      %scan3A_167 = arith.constant 0 : i32
      scf.yield %scan3A_167 : i32
    }
    %scan3A_9 = arith.constant 96 : i32
    %add3A_10 = arith.constant 0 : i32
    %add3A_11 = arith.addi %mul3A_2, %add3A_10 : i32
    %dma_start3A = arith.constant 0 : i32
    %dma_start3A_12 = arith.constant 0 : i32
    %dma_start3A_13 = tpu.memref_slice %arg4[%dma_start3A, %dma_start3A_12] : memref<2x16384xf32, #tpu.memory_space<vmem>> -> memref<1x16384xf32, #tpu.memory_space<vmem>>
    %dma_start3A_14 = tpu.memref_squeeze %dma_start3A_13 : memref<1x16384xf32, #tpu.memory_space<vmem>> -> memref<16384xf32, #tpu.memory_space<vmem>>
    %dma_start3A_15 = tpu.memref_slice %arg2[%add3A_11] : memref<25165824xf32, #tpu.memory_space<hbm>> -> memref<16384xf32, #tpu.memory_space<hbm>>
    %dma_start3A_16 = arith.constant 0 : i32
    %dma_start3A_17 = tpu.memref_slice %arg4[%dma_start3A, %dma_start3A_16] : memref<2x16384xf32, #tpu.memory_space<vmem>> -> memref<1x16384xf32, #tpu.memory_space<vmem>>
    %dma_start3A_18 = tpu.memref_squeeze %dma_start3A_17 : memref<1x16384xf32, #tpu.memory_space<vmem>> -> memref<16384xf32, #tpu.memory_space<vmem>>
    %dma_start3A_19 = tpu.memref_slice %arg2[%add3A_11] : memref<25165824xf32, #tpu.memory_space<hbm>> -> memref<16384xf32, #tpu.memory_space<hbm>>
    tpu.enqueue_dma source(%dma_start3A_19 : memref<16384xf32, #tpu.memory_space<hbm>>) target(%dma_start3A_18 : memref<16384xf32, #tpu.memory_space<vmem>>) target_semaphore(%arg7 : memref<!tpu.dma_semaphore, #tpu.memory_space<semaphore_mem>>)
    %add3A_20 = arith.constant 16384 : i32
    %add3A_21 = arith.addi %mul3A_2, %add3A_20 : i32
    %dma_start3A_22 = arith.constant 1 : i32
    %dma_start3A_23 = arith.constant 0 : i32
    %dma_start3A_24 = tpu.memref_slice %arg4[%dma_start3A_22, %dma_start3A_23] : memref<2x16384xf32, #tpu.memory_space<vmem>> -> memref<1x16384xf32, #tpu.memory_space<vmem>>
    %dma_start3A_25 = tpu.memref_squeeze %dma_start3A_24 : memref<1x16384xf32, #tpu.memory_space<vmem>> -> memref<16384xf32, #tpu.memory_space<vmem>>
    %dma_start3A_26 = tpu.memref_slice %arg2[%add3A_21] : memref<25165824xf32, #tpu.memory_space<hbm>> -> memref<16384xf32, #tpu.memory_space<hbm>>
    %dma_start3A_27 = arith.constant 0 : i32
    %dma_start3A_28 = tpu.memref_slice %arg4[%dma_start3A_22, %dma_start3A_27] : memref<2x16384xf32, #tpu.memory_space<vmem>> -> memref<1x16384xf32, #tpu.memory_space<vmem>>
    %dma_start3A_29 = tpu.memref_squeeze %dma_start3A_28 : memref<1x16384xf32, #tpu.memory_space<vmem>> -> memref<16384xf32, #tpu.memory_space<vmem>>
    %dma_start3A_30 = tpu.memref_slice %arg2[%add3A_21] : memref<25165824xf32, #tpu.memory_space<hbm>> -> memref<16384xf32, #tpu.memory_space<hbm>>
    tpu.enqueue_dma source(%dma_start3A_30 : memref<16384xf32, #tpu.memory_space<hbm>>) target(%dma_start3A_29 : memref<16384xf32, #tpu.memory_space<vmem>>) target_semaphore(%arg8 : memref<!tpu.dma_semaphore, #tpu.memory_space<semaphore_mem>>)
    %scan3A_31 = arith.constant 0 : i32
    %scan3A_32 = arith.constant 0 : i32
    %scan3A_33 = arith.constant 23 : i32
    %scan3A_34 = arith.addi %scan3A_32, %scan3A_33 : i32
    %scan3A_35 = arith.constant 1 : i32
    %scan3A_36 = scf.for %scan3A_86 = %scan3A_32 to %scan3A_34 step %scan3A_35 iter_args(%scan3A_87 = %scan3A_31) -> (i32)  : i32 {
      %mul3A_88 = arith.constant 2 : i32
      %mul3A_89 = arith.muli %scan3A_86, %mul3A_88 : i32
      %add3A_90 = arith.constant 0 : i32
      %add3A_91 = arith.addi %mul3A_89, %add3A_90 : i32
      %mul3A_92 = arith.constant 16384 : i32
      %mul3A_93 = arith.muli %add3A_91, %mul3A_92 : i32
      %add3A_94 = arith.addi %mul3A_2, %mul3A_93 : i32
      %dma_wait3A_95 = arith.constant 0 : i32
      %dma_wait3A_96 = arith.constant 0 : i32
      %dma_wait3A_97 = tpu.memref_slice %arg4[%dma_wait3A_95, %dma_wait3A_96] : memref<2x16384xf32, #tpu.memory_space<vmem>> -> memref<1x16384xf32, #tpu.memory_space<vmem>>
      %dma_wait3A_98 = tpu.memref_squeeze %dma_wait3A_97 : memref<1x16384xf32, #tpu.memory_space<vmem>> -> memref<16384xf32, #tpu.memory_space<vmem>>
      %dma_wait3A_99 = tpu.memref_slice %arg2[%add3A_94] : memref<25165824xf32, #tpu.memory_space<hbm>> -> memref<16384xf32, #tpu.memory_space<hbm>>
      %dma_wait3A_100 = arith.constant 0 : i32
      %dma_wait3A_101 = tpu.memref_slice %arg4[%dma_wait3A_95, %dma_wait3A_100] : memref<2x16384xf32, #tpu.memory_space<vmem>> -> memref<1x16384xf32, #tpu.memory_space<vmem>>
      %dma_wait3A_102 = tpu.memref_squeeze %dma_wait3A_101 : memref<1x16384xf32, #tpu.memory_space<vmem>> -> memref<16384xf32, #tpu.memory_space<vmem>>
      %dma_wait3A_103 = tpu.memref_slice %arg2[%add3A_94] : memref<25165824xf32, #tpu.memory_space<hbm>> -> memref<16384xf32, #tpu.memory_space<hbm>>
      tpu.wait_dma2 semaphore(%arg7 : memref<!tpu.dma_semaphore, #tpu.memory_space<semaphore_mem>>) src(%dma_wait3A_103 : memref<16384xf32, #tpu.memory_space<hbm>>) dst(%dma_wait3A_102 : memref<16384xf32, #tpu.memory_space<vmem>>)
      %jit3A = arith.constant 16 : i32
      %div3A = arith.divsi %add3A_91, %jit3A : i32
      %sign3A = arith.constant 0 : i32
      %sign3A_104 = arith.cmpi sgt, %add3A_91, %sign3A : i32
      %sign3A_105 = arith.extui %sign3A_104 : i1 to i32
      %sign3A_106 = arith.constant 0 : i32
      %sign3A_107 = arith.cmpi slt, %add3A_91, %sign3A_106 : i32
      %sign3A_108 = arith.extui %sign3A_107 : i1 to i32
      %sign3A_109 = arith.subi %sign3A_105, %sign3A_108 : i32
      %sign3A_110 = arith.constant 0 : i32
      %sign3A_111 = arith.cmpi sgt, %jit3A, %sign3A_110 : i32
      %sign3A_112 = arith.extui %sign3A_111 : i1 to i32
      %sign3A_113 = arith.constant 0 : i32
      %sign3A_114 = arith.cmpi slt, %jit3A, %sign3A_113 : i32
      %sign3A_115 = arith.extui %sign3A_114 : i1 to i32
      %sign3A_116 = arith.subi %sign3A_112, %sign3A_115 : i32
      %ne3A = arith.cmpi ne, %sign3A_109, %sign3A_116 : i32
      %rem3A = arith.remsi %add3A_91, %jit3A : i32
      %ne3A_117 = arith.constant 0 : i32
      %ne3A_118 = arith.cmpi ne, %rem3A, %ne3A_117 : i32
      %and3A = arith.andi %ne3A, %ne3A_118 : i1
      %sub3A = arith.constant 1 : i32
      %sub3A_119 = arith.subi %div3A, %sub3A : i32
      %select_n3A = arith.select %and3A, %sub3A_119, %div3A : i32
      %mul3A_120 = arith.constant 4096 : i32
      %mul3A_121 = arith.muli %select_n3A, %mul3A_120 : i32
      %add3A_122 = vector.broadcast %mul3A_121 : i32 to vector<16xi32>
      %add3A_123 = arith.addi %iota3A, %add3A_122 : vector<16xi32>
      %scan3A_124 = arith.constant 0 : i32
      %scan3A_125 = arith.constant 0 : i32
      %scan3A_126 = arith.constant 128 : i32
      %scan3A_127 = arith.addi %scan3A_125, %scan3A_126 : i32
      %scan3A_128 = arith.constant 1 : i32
      %scan3A_129 = scf.for %scan3A_211 = %scan3A_125 to %scan3A_127 step %scan3A_128 iter_args(%scan3A_212 = %scan3A_124) -> (i32)  : i32 {
        %mul3A_213 = arith.constant 8 : i32
        %mul3A_214 = arith.muli %scan3A_211, %mul3A_213 : i32
        %add3A_215 = arith.constant 0 : i32
        %add3A_216 = arith.addi %mul3A_214, %add3A_215 : i32
        %mul3A_217 = arith.constant 16 : i32
        %mul3A_218 = arith.muli %add3A_216, %mul3A_217 : i32
        %get3A = arith.constant 0 : i32
        %get3A_219 = arith.index_cast %get3A : i32 to index
        %get3A_220 = arith.index_cast %mul3A_218 : i32 to index
        %get3A_221 = tpu.vector_load %arg4[%get3A_219, %get3A_220] {strides = array<i32>} : memref<2x16384xf32, #tpu.memory_space<vmem>>, vector<16xf32>,
        %mul3A_222 = arith.constant 2.550000e+02 : f32
        %mul3A_223 = vector.broadcast %mul3A_222 : f32 to vector<16xf32>
        %mul3A_224 = arith.mulf %get3A_221, %mul3A_223 : vector<16xf32>
        %mul3A_225 = arith.constant 1.00392163 : f32
        %mul3A_226 = vector.broadcast %mul3A_225 : f32 to vector<16xf32>
        %mul3A_227 = arith.mulf %mul3A_224, %mul3A_226 : vector<16xf32>
        %convert_element_type3A = arith.fptosi %mul3A_227 : vector<16xf32> to vector<16xi32>
        %min3A = arith.constant 255 : i32
        %min3A_228 = vector.broadcast %min3A : i32 to vector<16xi32>
        %min3A_229 = arith.minsi %convert_element_type3A, %min3A_228 : vector<16xi32>
        %max3A = arith.constant 0 : i32
        %max3A_230 = vector.broadcast %max3A : i32 to vector<16xi32>
        %max3A_231 = arith.maxsi %min3A_229, %max3A_230 : vector<16xi32>
        %mul3A_232 = arith.constant 16 : i32
        %mul3A_233 = vector.broadcast %mul3A_232 : i32 to vector<16xi32>
        %mul3A_234 = arith.muli %max3A_231, %mul3A_233 : vector<16xi32>
        %add3A_235 = arith.addi %mul3A_234, %add3A_123 : vector<16xi32>
        tpu.vector_store_idx %arg5[%add3A_235], %broadcast_in_dim3A_3 {add = true} : memref<12288xf32, #tpu.memory_space<vmem>>[vector<16xi32>], vector<16xf32>,
        %mul3A_236 = arith.constant 8 : i32
        %mul3A_237 = arith.muli %scan3A_211, %mul3A_236 : i32
        %add3A_238 = arith.constant 1 : i32
        %add3A_239 = arith.addi %mul3A_237, %add3A_238 : i32
        %mul3A_240 = arith.constant 16 : i32
        %mul3A_241 = arith.muli %add3A_239, %mul3A_240 : i32
        %get3A_242 = arith.constant 0 : i32
        %get3A_243 = arith.index_cast %get3A_242 : i32 to index
        %get3A_244 = arith.index_cast %mul3A_241 : i32 to index
        %get3A_245 = tpu.vector_load %arg4[%get3A_243, %get3A_244] {strides = array<i32>} : memref<2x16384xf32, #tpu.memory_space<vmem>>, vector<16xf32>,
        %mul3A_246 = arith.constant 2.550000e+02 : f32
        %mul3A_247 = vector.broadcast %mul3A_246 : f32 to vector<16xf32>
        %mul3A_248 = arith.mulf %get3A_245, %mul3A_247 : vector<16xf32>
        %mul3A_249 = arith.constant 1.00392163 : f32
        %mul3A_250 = vector.broadcast %mul3A_249 : f32 to vector<16xf32>
        %mul3A_251 = arith.mulf %mul3A_248, %mul3A_250 : vector<16xf32>
        %convert_element_type3A_252 = arith.fptosi %mul3A_251 : vector<16xf32> to vector<16xi32>
        %min3A_253 = arith.constant 255 : i32
        %min3A_254 = vector.broadcast %min3A_253 : i32 to vector<16xi32>
        %min3A_255 = arith.minsi %convert_element_type3A_252, %min3A_254 : vector<16xi32>
        %max3A_256 = arith.constant 0 : i32
        %max3A_257 = vector.broadcast %max3A_256 : i32 to vector<16xi32>
        %max3A_258 = arith.maxsi %min3A_255, %max3A_257 : vector<16xi32>
        %mul3A_259 = arith.constant 16 : i32
        %mul3A_260 = vector.broadcast %mul3A_259 : i32 to vector<16xi32>
        %mul3A_261 = arith.muli %max3A_258, %mul3A_260 : vector<16xi32>
        %add3A_262 = arith.addi %mul3A_261, %add3A_123 : vector<16xi32>
        tpu.vector_store_idx %arg5[%add3A_262], %broadcast_in_dim3A_3 {add = true} : memref<12288xf32, #tpu.memory_space<vmem>>[vector<16xi32>], vector<16xf32>,
        %mul3A_263 = arith.constant 8 : i32
        %mul3A_264 = arith.muli %scan3A_211, %mul3A_263 : i32
        %add3A_265 = arith.constant 2 : i32
        %add3A_266 = arith.addi %mul3A_264, %add3A_265 : i32
        %mul3A_267 = arith.constant 16 : i32
        %mul3A_268 = arith.muli %add3A_266, %mul3A_267 : i32
        %get3A_269 = arith.constant 0 : i32
        %get3A_270 = arith.index_cast %get3A_269 : i32 to index
        %get3A_271 = arith.index_cast %mul3A_268 : i32 to index
        %get3A_272 = tpu.vector_load %arg4[%get3A_270, %get3A_271] {strides = array<i32>} : memref<2x16384xf32, #tpu.memory_space<vmem>>, vector<16xf32>,
        %mul3A_273 = arith.constant 2.550000e+02 : f32
        %mul3A_274 = vector.broadcast %mul3A_273 : f32 to vector<16xf32>
        %mul3A_275 = arith.mulf %get3A_272, %mul3A_274 : vector<16xf32>
        %mul3A_276 = arith.constant 1.00392163 : f32
        %mul3A_277 = vector.broadcast %mul3A_276 : f32 to vector<16xf32>
        %mul3A_278 = arith.mulf %mul3A_275, %mul3A_277 : vector<16xf32>
        %convert_element_type3A_279 = arith.fptosi %mul3A_278 : vector<16xf32> to vector<16xi32>
        %min3A_280 = arith.constant 255 : i32
        %min3A_281 = vector.broadcast %min3A_280 : i32 to vector<16xi32>
        %min3A_282 = arith.minsi %convert_element_type3A_279, %min3A_281 : vector<16xi32>
        %max3A_283 = arith.constant 0 : i32
        %max3A_284 = vector.broadcast %max3A_283 : i32 to vector<16xi32>
        %max3A_285 = arith.maxsi %min3A_282, %max3A_284 : vector<16xi32>
        %mul3A_286 = arith.constant 16 : i32
        %mul3A_287 = vector.broadcast %mul3A_286 : i32 to vector<16xi32>
        %mul3A_288 = arith.muli %max3A_285, %mul3A_287 : vector<16xi32>
        %add3A_289 = arith.addi %mul3A_288, %add3A_123 : vector<16xi32>
        tpu.vector_store_idx %arg5[%add3A_289], %broadcast_in_dim3A_3 {add = true} : memref<12288xf32, #tpu.memory_space<vmem>>[vector<16xi32>], vector<16xf32>,
        %mul3A_290 = arith.constant 8 : i32
        %mul3A_291 = arith.muli %scan3A_211, %mul3A_290 : i32
        %add3A_292 = arith.constant 3 : i32
        %add3A_293 = arith.addi %mul3A_291, %add3A_292 : i32
        %mul3A_294 = arith.constant 16 : i32
        %mul3A_295 = arith.muli %add3A_293, %mul3A_294 : i32
        %get3A_296 = arith.constant 0 : i32
        %get3A_297 = arith.index_cast %get3A_296 : i32 to index
        %get3A_298 = arith.index_cast %mul3A_295 : i32 to index
        %get3A_299 = tpu.vector_load %arg4[%get3A_297, %get3A_298] {strides = array<i32>} : memref<2x16384xf32, #tpu.memory_space<vmem>>, vector<16xf32>,
        %mul3A_300 = arith.constant 2.550000e+02 : f32
        %mul3A_301 = vector.broadcast %mul3A_300 : f32 to vector<16xf32>
        %mul3A_302 = arith.mulf %get3A_299, %mul3A_301 : vector<16xf32>
        %mul3A_303 = arith.constant 1.00392163 : f32
        %mul3A_304 = vector.broadcast %mul3A_303 : f32 to vector<16xf32>
        %mul3A_305 = arith.mulf %mul3A_302, %mul3A_304 : vector<16xf32>
        %convert_element_type3A_306 = arith.fptosi %mul3A_305 : vector<16xf32> to vector<16xi32>
        %min3A_307 = arith.constant 255 : i32
        %min3A_308 = vector.broadcast %min3A_307 : i32 to vector<16xi32>
        %min3A_309 = arith.minsi %convert_element_type3A_306, %min3A_308 : vector<16xi32>
        %max3A_310 = arith.constant 0 : i32
        %max3A_311 = vector.broadcast %max3A_310 : i32 to vector<16xi32>
        %max3A_312 = arith.maxsi %min3A_309, %max3A_311 : vector<16xi32>
        %mul3A_313 = arith.constant 16 : i32
        %mul3A_314 = vector.broadcast %mul3A_313 : i32 to vector<16xi32>
        %mul3A_315 = arith.muli %max3A_312, %mul3A_314 : vector<16xi32>
        %add3A_316 = arith.addi %mul3A_315, %add3A_123 : vector<16xi32>
        tpu.vector_store_idx %arg5[%add3A_316], %broadcast_in_dim3A_3 {add = true} : memref<12288xf32, #tpu.memory_space<vmem>>[vector<16xi32>], vector<16xf32>,
        %mul3A_317 = arith.constant 8 : i32
        %mul3A_318 = arith.muli %scan3A_211, %mul3A_317 : i32
        %add3A_319 = arith.constant 4 : i32
        %add3A_320 = arith.addi %mul3A_318, %add3A_319 : i32
        %mul3A_321 = arith.constant 16 : i32
        %mul3A_322 = arith.muli %add3A_320, %mul3A_321 : i32
        %get3A_323 = arith.constant 0 : i32
        %get3A_324 = arith.index_cast %get3A_323 : i32 to index
        %get3A_325 = arith.index_cast %mul3A_322 : i32 to index
        %get3A_326 = tpu.vector_load %arg4[%get3A_324, %get3A_325] {strides = array<i32>} : memref<2x16384xf32, #tpu.memory_space<vmem>>, vector<16xf32>,
        %mul3A_327 = arith.constant 2.550000e+02 : f32
        %mul3A_328 = vector.broadcast %mul3A_327 : f32 to vector<16xf32>
        %mul3A_329 = arith.mulf %get3A_326, %mul3A_328 : vector<16xf32>
        %mul3A_330 = arith.constant 1.00392163 : f32
        %mul3A_331 = vector.broadcast %mul3A_330 : f32 to vector<16xf32>
        %mul3A_332 = arith.mulf %mul3A_329, %mul3A_331 : vector<16xf32>
        %convert_element_type3A_333 = arith.fptosi %mul3A_332 : vector<16xf32> to vector<16xi32>
        %min3A_334 = arith.constant 255 : i32
        %min3A_335 = vector.broadcast %min3A_334 : i32 to vector<16xi32>
        %min3A_336 = arith.minsi %convert_element_type3A_333, %min3A_335 : vector<16xi32>
        %max3A_337 = arith.constant 0 : i32
        %max3A_338 = vector.broadcast %max3A_337 : i32 to vector<16xi32>
        %max3A_339 = arith.maxsi %min3A_336, %max3A_338 : vector<16xi32>
        %mul3A_340 = arith.constant 16 : i32
        %mul3A_341 = vector.broadcast %mul3A_340 : i32 to vector<16xi32>
        %mul3A_342 = arith.muli %max3A_339, %mul3A_341 : vector<16xi32>
        %add3A_343 = arith.addi %mul3A_342, %add3A_123 : vector<16xi32>
        tpu.vector_store_idx %arg5[%add3A_343], %broadcast_in_dim3A_3 {add = true} : memref<12288xf32, #tpu.memory_space<vmem>>[vector<16xi32>], vector<16xf32>,
        %mul3A_344 = arith.constant 8 : i32
        %mul3A_345 = arith.muli %scan3A_211, %mul3A_344 : i32
        %add3A_346 = arith.constant 5 : i32
        %add3A_347 = arith.addi %mul3A_345, %add3A_346 : i32
        %mul3A_348 = arith.constant 16 : i32
        %mul3A_349 = arith.muli %add3A_347, %mul3A_348 : i32
        %get3A_350 = arith.constant 0 : i32
        %get3A_351 = arith.index_cast %get3A_350 : i32 to index
        %get3A_352 = arith.index_cast %mul3A_349 : i32 to index
        %get3A_353 = tpu.vector_load %arg4[%get3A_351, %get3A_352] {strides = array<i32>} : memref<2x16384xf32, #tpu.memory_space<vmem>>, vector<16xf32>,
        %mul3A_354 = arith.constant 2.550000e+02 : f32
        %mul3A_355 = vector.broadcast %mul3A_354 : f32 to vector<16xf32>
        %mul3A_356 = arith.mulf %get3A_353, %mul3A_355 : vector<16xf32>
        %mul3A_357 = arith.constant 1.00392163 : f32
        %mul3A_358 = vector.broadcast %mul3A_357 : f32 to vector<16xf32>
        %mul3A_359 = arith.mulf %mul3A_356, %mul3A_358 : vector<16xf32>
        %convert_element_type3A_360 = arith.fptosi %mul3A_359 : vector<16xf32> to vector<16xi32>
        %min3A_361 = arith.constant 255 : i32
        %min3A_362 = vector.broadcast %min3A_361 : i32 to vector<16xi32>
        %min3A_363 = arith.minsi %convert_element_type3A_360, %min3A_362 : vector<16xi32>
        %max3A_364 = arith.constant 0 : i32
        %max3A_365 = vector.broadcast %max3A_364 : i32 to vector<16xi32>
        %max3A_366 = arith.maxsi %min3A_363, %max3A_365 : vector<16xi32>
        %mul3A_367 = arith.constant 16 : i32
        %mul3A_368 = vector.broadcast %mul3A_367 : i32 to vector<16xi32>
        %mul3A_369 = arith.muli %max3A_366, %mul3A_368 : vector<16xi32>
        %add3A_370 = arith.addi %mul3A_369, %add3A_123 : vector<16xi32>
        tpu.vector_store_idx %arg5[%add3A_370], %broadcast_in_dim3A_3 {add = true} : memref<12288xf32, #tpu.memory_space<vmem>>[vector<16xi32>], vector<16xf32>,
        %mul3A_371 = arith.constant 8 : i32
        %mul3A_372 = arith.muli %scan3A_211, %mul3A_371 : i32
        %add3A_373 = arith.constant 6 : i32
        %add3A_374 = arith.addi %mul3A_372, %add3A_373 : i32
        %mul3A_375 = arith.constant 16 : i32
        %mul3A_376 = arith.muli %add3A_374, %mul3A_375 : i32
        %get3A_377 = arith.constant 0 : i32
        %get3A_378 = arith.index_cast %get3A_377 : i32 to index
        %get3A_379 = arith.index_cast %mul3A_376 : i32 to index
        %get3A_380 = tpu.vector_load %arg4[%get3A_378, %get3A_379] {strides = array<i32>} : memref<2x16384xf32, #tpu.memory_space<vmem>>, vector<16xf32>,
        %mul3A_381 = arith.constant 2.550000e+02 : f32
        %mul3A_382 = vector.broadcast %mul3A_381 : f32 to vector<16xf32>
        %mul3A_383 = arith.mulf %get3A_380, %mul3A_382 : vector<16xf32>
        %mul3A_384 = arith.constant 1.00392163 : f32
        %mul3A_385 = vector.broadcast %mul3A_384 : f32 to vector<16xf32>
        %mul3A_386 = arith.mulf %mul3A_383, %mul3A_385 : vector<16xf32>
        %convert_element_type3A_387 = arith.fptosi %mul3A_386 : vector<16xf32> to vector<16xi32>
        %min3A_388 = arith.constant 255 : i32
        %min3A_389 = vector.broadcast %min3A_388 : i32 to vector<16xi32>
        %min3A_390 = arith.minsi %convert_element_type3A_387, %min3A_389 : vector<16xi32>
        %max3A_391 = arith.constant 0 : i32
        %max3A_392 = vector.broadcast %max3A_391 : i32 to vector<16xi32>
        %max3A_393 = arith.maxsi %min3A_390, %max3A_392 : vector<16xi32>
        %mul3A_394 = arith.constant 16 : i32
        %mul3A_395 = vector.broadcast %mul3A_394 : i32 to vector<16xi32>
        %mul3A_396 = arith.muli %max3A_393, %mul3A_395 : vector<16xi32>
        %add3A_397 = arith.addi %mul3A_396, %add3A_123 : vector<16xi32>
        tpu.vector_store_idx %arg5[%add3A_397], %broadcast_in_dim3A_3 {add = true} : memref<12288xf32, #tpu.memory_space<vmem>>[vector<16xi32>], vector<16xf32>,
        %mul3A_398 = arith.constant 8 : i32
        %mul3A_399 = arith.muli %scan3A_211, %mul3A_398 : i32
        %add3A_400 = arith.constant 7 : i32
        %add3A_401 = arith.addi %mul3A_399, %add3A_400 : i32
        %mul3A_402 = arith.constant 16 : i32
        %mul3A_403 = arith.muli %add3A_401, %mul3A_402 : i32
        %get3A_404 = arith.constant 0 : i32
        %get3A_405 = arith.index_cast %get3A_404 : i32 to index
        %get3A_406 = arith.index_cast %mul3A_403 : i32 to index
        %get3A_407 = tpu.vector_load %arg4[%get3A_405, %get3A_406] {strides = array<i32>} : memref<2x16384xf32, #tpu.memory_space<vmem>>, vector<16xf32>,
        %mul3A_408 = arith.constant 2.550000e+02 : f32
        %mul3A_409 = vector.broadcast %mul3A_408 : f32 to vector<16xf32>
        %mul3A_410 = arith.mulf %get3A_407, %mul3A_409 : vector<16xf32>
        %mul3A_411 = arith.constant 1.00392163 : f32
        %mul3A_412 = vector.broadcast %mul3A_411 : f32 to vector<16xf32>
        %mul3A_413 = arith.mulf %mul3A_410, %mul3A_412 : vector<16xf32>
        %convert_element_type3A_414 = arith.fptosi %mul3A_413 : vector<16xf32> to vector<16xi32>
        %min3A_415 = arith.constant 255 : i32
        %min3A_416 = vector.broadcast %min3A_415 : i32 to vector<16xi32>
        %min3A_417 = arith.minsi %convert_element_type3A_414, %min3A_416 : vector<16xi32>
        %max3A_418 = arith.constant 0 : i32
        %max3A_419 = vector.broadcast %max3A_418 : i32 to vector<16xi32>
        %max3A_420 = arith.maxsi %min3A_417, %max3A_419 : vector<16xi32>
        %mul3A_421 = arith.constant 16 : i32
        %mul3A_422 = vector.broadcast %mul3A_421 : i32 to vector<16xi32>
        %mul3A_423 = arith.muli %max3A_420, %mul3A_422 : vector<16xi32>
        %add3A_424 = arith.addi %mul3A_423, %add3A_123 : vector<16xi32>
        tpu.vector_store_idx %arg5[%add3A_424], %broadcast_in_dim3A_3 {add = true} : memref<12288xf32, #tpu.memory_space<vmem>>[vector<16xi32>], vector<16xf32>,
        %scan3A_425 = arith.constant 0 : i32
        scf.yield %scan3A_425 : i32
      }
      %scan3A_130 = arith.constant 128 : i32
      %add3A_131 = arith.constant 2 : i32
      %add3A_132 = arith.addi %add3A_91, %add3A_131 : i32
      %mul3A_133 = arith.constant 16384 : i32
      %mul3A_134 = arith.muli %add3A_132, %mul3A_133 : i32
      %add3A_135 = arith.addi %mul3A_2, %mul3A_134 : i32
      %dma_start3A_136 = arith.constant 0 : i32
      %dma_start3A_137 = arith.constant 0 : i32
      %dma_start3A_138 = tpu.memref_slice %arg4[%dma_start3A_136, %dma_start3A_137] : memref<2x16384xf32, #tpu.memory_space<vmem>> -> memref<1x16384xf32, #tpu.memory_space<vmem>>
      %dma_start3A_139 = tpu.memref_squeeze %dma_start3A_138 : memref<1x16384xf32, #tpu.memory_space<vmem>> -> memref<16384xf32, #tpu.memory_space<vmem>>
      %dma_start3A_140 = tpu.memref_slice %arg2[%add3A_135] : memref<25165824xf32, #tpu.memory_space<hbm>> -> memref<16384xf32, #tpu.memory_space<hbm>>
      %dma_start3A_141 = arith.constant 0 : i32
      %dma_start3A_142 = tpu.memref_slice %arg4[%dma_start3A_136, %dma_start3A_141] : memref<2x16384xf32, #tpu.memory_space<vmem>> -> memref<1x16384xf32, #tpu.memory_space<vmem>>
      %dma_start3A_143 = tpu.memref_squeeze %dma_start3A_142 : memref<1x16384xf32, #tpu.memory_space<vmem>> -> memref<16384xf32, #tpu.memory_space<vmem>>
      %dma_start3A_144 = tpu.memref_slice %arg2[%add3A_135] : memref<25165824xf32, #tpu.memory_space<hbm>> -> memref<16384xf32, #tpu.memory_space<hbm>>
      tpu.enqueue_dma source(%dma_start3A_144 : memref<16384xf32, #tpu.memory_space<hbm>>) target(%dma_start3A_143 : memref<16384xf32, #tpu.memory_space<vmem>>) target_semaphore(%arg7 : memref<!tpu.dma_semaphore, #tpu.memory_space<semaphore_mem>>)
      %mul3A_145 = arith.constant 2 : i32
      %mul3A_146 = arith.muli %scan3A_86, %mul3A_145 : i32
      %add3A_147 = arith.constant 1 : i32
      %add3A_148 = arith.addi %mul3A_146, %add3A_147 : i32
      %mul3A_149 = arith.constant 16384 : i32
      %mul3A_150 = arith.muli %add3A_148, %mul3A_149 : i32
      %add3A_151 = arith.addi %mul3A_2, %mul3A_150 : i32
      %dma_wait3A_152 = arith.constant 1 : i32
      %dma_wait3A_153 = arith.constant 0 : i32
      %dma_wait3A_154 = tpu.memref_slice %arg4[%dma_wait3A_152, %dma_wait3A_153] : memref<2x16384xf32, #tpu.memory_space<vmem>> -> memref<1x16384xf32, #tpu.memory_space<vmem>>
      %dma_wait3A_155 = tpu.memref_squeeze %dma_wait3A_154 : memref<1x16384xf32, #tpu.memory_space<vmem>> -> memref<16384xf32, #tpu.memory_space<vmem>>
      %dma_wait3A_156 = tpu.memref_slice %arg2[%add3A_151] : memref<25165824xf32, #tpu.memory_space<hbm>> -> memref<16384xf32, #tpu.memory_space<hbm>>
      %dma_wait3A_157 = arith.constant 0 : i32
      %dma_wait3A_158 = tpu.memref_slice %arg4[%dma_wait3A_152, %dma_wait3A_157] : memref<2x16384xf32, #tpu.memory_space<vmem>> -> memref<1x16384xf32, #tpu.memory_space<vmem>>
      %dma_wait3A_159 = tpu.memref_squeeze %dma_wait3A_158 : memref<1x16384xf32, #tpu.memory_space<vmem>> -> memref<16384xf32, #tpu.memory_space<vmem>>
      %dma_wait3A_160 = tpu.memref_slice %arg2[%add3A_151] : memref<25165824xf32, #tpu.memory_space<hbm>> -> memref<16384xf32, #tpu.memory_space<hbm>>
      tpu.wait_dma2 semaphore(%arg8 : memref<!tpu.dma_semaphore, #tpu.memory_space<semaphore_mem>>) src(%dma_wait3A_160 : memref<16384xf32, #tpu.memory_space<hbm>>) dst(%dma_wait3A_159 : memref<16384xf32, #tpu.memory_space<vmem>>)
      %jit3A_161 = arith.constant 16 : i32
      %div3A_162 = arith.divsi %add3A_148, %jit3A_161 : i32
      %sign3A_163 = arith.constant 0 : i32
      %sign3A_164 = arith.cmpi sgt, %add3A_148, %sign3A_163 : i32
      %sign3A_165 = arith.extui %sign3A_164 : i1 to i32
      %sign3A_166 = arith.constant 0 : i32
      %sign3A_167 = arith.cmpi slt, %add3A_148, %sign3A_166 : i32
      %sign3A_168 = arith.extui %sign3A_167 : i1 to i32
      %sign3A_169 = arith.subi %sign3A_165, %sign3A_168 : i32
      %sign3A_170 = arith.constant 0 : i32
      %sign3A_171 = arith.cmpi sgt, %jit3A_161, %sign3A_170 : i32
      %sign3A_172 = arith.extui %sign3A_171 : i1 to i32
      %sign3A_173 = arith.constant 0 : i32
      %sign3A_174 = arith.cmpi slt, %jit3A_161, %sign3A_173 : i32
      %sign3A_175 = arith.extui %sign3A_174 : i1 to i32
      %sign3A_176 = arith.subi %sign3A_172, %sign3A_175 : i32
      %ne3A_177 = arith.cmpi ne, %sign3A_169, %sign3A_176 : i32
      %rem3A_178 = arith.remsi %add3A_148, %jit3A_161 : i32
      %ne3A_179 = arith.constant 0 : i32
      %ne3A_180 = arith.cmpi ne, %rem3A_178, %ne3A_179 : i32
      %and3A_181 = arith.andi %ne3A_177, %ne3A_180 : i1
      %sub3A_182 = arith.constant 1 : i32
      %sub3A_183 = arith.subi %div3A_162, %sub3A_182 : i32
      %select_n3A_184 = arith.select %and3A_181, %sub3A_183, %div3A_162 : i32
      %mul3A_185 = arith.constant 4096 : i32
      %mul3A_186 = arith.muli %select_n3A_184, %mul3A_185 : i32
      %add3A_187 = vector.broadcast %mul3A_186 : i32 to vector<16xi32>
      %add3A_188 = arith.addi %iota3A, %add3A_187 : vector<16xi32>
      %scan3A_189 = arith.constant 0 : i32
      %scan3A_190 = arith.constant 0 : i32
      %scan3A_191 = arith.constant 128 : i32
      %scan3A_192 = arith.addi %scan3A_190, %scan3A_191 : i32
      %scan3A_193 = arith.constant 1 : i32
      %scan3A_194 = scf.for %scan3A_211 = %scan3A_190 to %scan3A_192 step %scan3A_193 iter_args(%scan3A_212 = %scan3A_189) -> (i32)  : i32 {
        %mul3A_213 = arith.constant 8 : i32
        %mul3A_214 = arith.muli %scan3A_211, %mul3A_213 : i32
        %add3A_215 = arith.constant 0 : i32
        %add3A_216 = arith.addi %mul3A_214, %add3A_215 : i32
        %mul3A_217 = arith.constant 16 : i32
        %mul3A_218 = arith.muli %add3A_216, %mul3A_217 : i32
        %get3A = arith.constant 1 : i32
        %get3A_219 = arith.index_cast %get3A : i32 to index
        %get3A_220 = arith.index_cast %mul3A_218 : i32 to index
        %get3A_221 = tpu.vector_load %arg4[%get3A_219, %get3A_220] {strides = array<i32>} : memref<2x16384xf32, #tpu.memory_space<vmem>>, vector<16xf32>,
        %mul3A_222 = arith.constant 2.550000e+02 : f32
        %mul3A_223 = vector.broadcast %mul3A_222 : f32 to vector<16xf32>
        %mul3A_224 = arith.mulf %get3A_221, %mul3A_223 : vector<16xf32>
        %mul3A_225 = arith.constant 1.00392163 : f32
        %mul3A_226 = vector.broadcast %mul3A_225 : f32 to vector<16xf32>
        %mul3A_227 = arith.mulf %mul3A_224, %mul3A_226 : vector<16xf32>
        %convert_element_type3A = arith.fptosi %mul3A_227 : vector<16xf32> to vector<16xi32>
        %min3A = arith.constant 255 : i32
        %min3A_228 = vector.broadcast %min3A : i32 to vector<16xi32>
        %min3A_229 = arith.minsi %convert_element_type3A, %min3A_228 : vector<16xi32>
        %max3A = arith.constant 0 : i32
        %max3A_230 = vector.broadcast %max3A : i32 to vector<16xi32>
        %max3A_231 = arith.maxsi %min3A_229, %max3A_230 : vector<16xi32>
        %mul3A_232 = arith.constant 16 : i32
        %mul3A_233 = vector.broadcast %mul3A_232 : i32 to vector<16xi32>
        %mul3A_234 = arith.muli %max3A_231, %mul3A_233 : vector<16xi32>
        %add3A_235 = arith.addi %mul3A_234, %add3A_188 : vector<16xi32>
        tpu.vector_store_idx %arg5[%add3A_235], %broadcast_in_dim3A_3 {add = true} : memref<12288xf32, #tpu.memory_space<vmem>>[vector<16xi32>], vector<16xf32>,
        %mul3A_236 = arith.constant 8 : i32
        %mul3A_237 = arith.muli %scan3A_211, %mul3A_236 : i32
        %add3A_238 = arith.constant 1 : i32
        %add3A_239 = arith.addi %mul3A_237, %add3A_238 : i32
        %mul3A_240 = arith.constant 16 : i32
        %mul3A_241 = arith.muli %add3A_239, %mul3A_240 : i32
        %get3A_242 = arith.constant 1 : i32
        %get3A_243 = arith.index_cast %get3A_242 : i32 to index
        %get3A_244 = arith.index_cast %mul3A_241 : i32 to index
        %get3A_245 = tpu.vector_load %arg4[%get3A_243, %get3A_244] {strides = array<i32>} : memref<2x16384xf32, #tpu.memory_space<vmem>>, vector<16xf32>,
        %mul3A_246 = arith.constant 2.550000e+02 : f32
        %mul3A_247 = vector.broadcast %mul3A_246 : f32 to vector<16xf32>
        %mul3A_248 = arith.mulf %get3A_245, %mul3A_247 : vector<16xf32>
        %mul3A_249 = arith.constant 1.00392163 : f32
        %mul3A_250 = vector.broadcast %mul3A_249 : f32 to vector<16xf32>
        %mul3A_251 = arith.mulf %mul3A_248, %mul3A_250 : vector<16xf32>
        %convert_element_type3A_252 = arith.fptosi %mul3A_251 : vector<16xf32> to vector<16xi32>
        %min3A_253 = arith.constant 255 : i32
        %min3A_254 = vector.broadcast %min3A_253 : i32 to vector<16xi32>
        %min3A_255 = arith.minsi %convert_element_type3A_252, %min3A_254 : vector<16xi32>
        %max3A_256 = arith.constant 0 : i32
        %max3A_257 = vector.broadcast %max3A_256 : i32 to vector<16xi32>
        %max3A_258 = arith.maxsi %min3A_255, %max3A_257 : vector<16xi32>
        %mul3A_259 = arith.constant 16 : i32
        %mul3A_260 = vector.broadcast %mul3A_259 : i32 to vector<16xi32>
        %mul3A_261 = arith.muli %max3A_258, %mul3A_260 : vector<16xi32>
        %add3A_262 = arith.addi %mul3A_261, %add3A_188 : vector<16xi32>
        tpu.vector_store_idx %arg5[%add3A_262], %broadcast_in_dim3A_3 {add = true} : memref<12288xf32, #tpu.memory_space<vmem>>[vector<16xi32>], vector<16xf32>,
        %mul3A_263 = arith.constant 8 : i32
        %mul3A_264 = arith.muli %scan3A_211, %mul3A_263 : i32
        %add3A_265 = arith.constant 2 : i32
        %add3A_266 = arith.addi %mul3A_264, %add3A_265 : i32
        %mul3A_267 = arith.constant 16 : i32
        %mul3A_268 = arith.muli %add3A_266, %mul3A_267 : i32
        %get3A_269 = arith.constant 1 : i32
        %get3A_270 = arith.index_cast %get3A_269 : i32 to index
        %get3A_271 = arith.index_cast %mul3A_268 : i32 to index
        %get3A_272 = tpu.vector_load %arg4[%get3A_270, %get3A_271] {strides = array<i32>} : memref<2x16384xf32, #tpu.memory_space<vmem>>, vector<16xf32>,
        %mul3A_273 = arith.constant 2.550000e+02 : f32
        %mul3A_274 = vector.broadcast %mul3A_273 : f32 to vector<16xf32>
        %mul3A_275 = arith.mulf %get3A_272, %mul3A_274 : vector<16xf32>
        %mul3A_276 = arith.constant 1.00392163 : f32
        %mul3A_277 = vector.broadcast %mul3A_276 : f32 to vector<16xf32>
        %mul3A_278 = arith.mulf %mul3A_275, %mul3A_277 : vector<16xf32>
        %convert_element_type3A_279 = arith.fptosi %mul3A_278 : vector<16xf32> to vector<16xi32>
        %min3A_280 = arith.constant 255 : i32
        %min3A_281 = vector.broadcast %min3A_280 : i32 to vector<16xi32>
        %min3A_282 = arith.minsi %convert_element_type3A_279, %min3A_281 : vector<16xi32>
        %max3A_283 = arith.constant 0 : i32
        %max3A_284 = vector.broadcast %max3A_283 : i32 to vector<16xi32>
        %max3A_285 = arith.maxsi %min3A_282, %max3A_284 : vector<16xi32>
        %mul3A_286 = arith.constant 16 : i32
        %mul3A_287 = vector.broadcast %mul3A_286 : i32 to vector<16xi32>
        %mul3A_288 = arith.muli %max3A_285, %mul3A_287 : vector<16xi32>
        %add3A_289 = arith.addi %mul3A_288, %add3A_188 : vector<16xi32>
        tpu.vector_store_idx %arg5[%add3A_289], %broadcast_in_dim3A_3 {add = true} : memref<12288xf32, #tpu.memory_space<vmem>>[vector<16xi32>], vector<16xf32>,
        %mul3A_290 = arith.constant 8 : i32
        %mul3A_291 = arith.muli %scan3A_211, %mul3A_290 : i32
        %add3A_292 = arith.constant 3 : i32
        %add3A_293 = arith.addi %mul3A_291, %add3A_292 : i32
        %mul3A_294 = arith.constant 16 : i32
        %mul3A_295 = arith.muli %add3A_293, %mul3A_294 : i32
        %get3A_296 = arith.constant 1 : i32
        %get3A_297 = arith.index_cast %get3A_296 : i32 to index
        %get3A_298 = arith.index_cast %mul3A_295 : i32 to index
        %get3A_299 = tpu.vector_load %arg4[%get3A_297, %get3A_298] {strides = array<i32>} : memref<2x16384xf32, #tpu.memory_space<vmem>>, vector<16xf32>,
        %mul3A_300 = arith.constant 2.550000e+02 : f32
        %mul3A_301 = vector.broadcast %mul3A_300 : f32 to vector<16xf32>
        %mul3A_302 = arith.mulf %get3A_299, %mul3A_301 : vector<16xf32>
        %mul3A_303 = arith.constant 1.00392163 : f32
        %mul3A_304 = vector.broadcast %mul3A_303 : f32 to vector<16xf32>
        %mul3A_305 = arith.mulf %mul3A_302, %mul3A_304 : vector<16xf32>
        %convert_element_type3A_306 = arith.fptosi %mul3A_305 : vector<16xf32> to vector<16xi32>
        %min3A_307 = arith.constant 255 : i32
        %min3A_308 = vector.broadcast %min3A_307 : i32 to vector<16xi32>
        %min3A_309 = arith.minsi %convert_element_type3A_306, %min3A_308 : vector<16xi32>
        %max3A_310 = arith.constant 0 : i32
        %max3A_311 = vector.broadcast %max3A_310 : i32 to vector<16xi32>
        %max3A_312 = arith.maxsi %min3A_309, %max3A_311 : vector<16xi32>
        %mul3A_313 = arith.constant 16 : i32
        %mul3A_314 = vector.broadcast %mul3A_313 : i32 to vector<16xi32>
        %mul3A_315 = arith.muli %max3A_312, %mul3A_314 : vector<16xi32>
        %add3A_316 = arith.addi %mul3A_315, %add3A_188 : vector<16xi32>
        tpu.vector_store_idx %arg5[%add3A_316], %broadcast_in_dim3A_3 {add = true} : memref<12288xf32, #tpu.memory_space<vmem>>[vector<16xi32>], vector<16xf32>,
        %mul3A_317 = arith.constant 8 : i32
        %mul3A_318 = arith.muli %scan3A_211, %mul3A_317 : i32
        %add3A_319 = arith.constant 4 : i32
        %add3A_320 = arith.addi %mul3A_318, %add3A_319 : i32
        %mul3A_321 = arith.constant 16 : i32
        %mul3A_322 = arith.muli %add3A_320, %mul3A_321 : i32
        %get3A_323 = arith.constant 1 : i32
        %get3A_324 = arith.index_cast %get3A_323 : i32 to index
        %get3A_325 = arith.index_cast %mul3A_322 : i32 to index
        %get3A_326 = tpu.vector_load %arg4[%get3A_324, %get3A_325] {strides = array<i32>} : memref<2x16384xf32, #tpu.memory_space<vmem>>, vector<16xf32>,
        %mul3A_327 = arith.constant 2.550000e+02 : f32
        %mul3A_328 = vector.broadcast %mul3A_327 : f32 to vector<16xf32>
        %mul3A_329 = arith.mulf %get3A_326, %mul3A_328 : vector<16xf32>
        %mul3A_330 = arith.constant 1.00392163 : f32
        %mul3A_331 = vector.broadcast %mul3A_330 : f32 to vector<16xf32>
        %mul3A_332 = arith.mulf %mul3A_329, %mul3A_331 : vector<16xf32>
        %convert_element_type3A_333 = arith.fptosi %mul3A_332 : vector<16xf32> to vector<16xi32>
        %min3A_334 = arith.constant 255 : i32
        %min3A_335 = vector.broadcast %min3A_334 : i32 to vector<16xi32>
        %min3A_336 = arith.minsi %convert_element_type3A_333, %min3A_335 : vector<16xi32>
        %max3A_337 = arith.constant 0 : i32
        %max3A_338 = vector.broadcast %max3A_337 : i32 to vector<16xi32>
        %max3A_339 = arith.maxsi %min3A_336, %max3A_338 : vector<16xi32>
        %mul3A_340 = arith.constant 16 : i32
        %mul3A_341 = vector.broadcast %mul3A_340 : i32 to vector<16xi32>
        %mul3A_342 = arith.muli %max3A_339, %mul3A_341 : vector<16xi32>
        %add3A_343 = arith.addi %mul3A_342, %add3A_188 : vector<16xi32>
        tpu.vector_store_idx %arg5[%add3A_343], %broadcast_in_dim3A_3 {add = true} : memref<12288xf32, #tpu.memory_space<vmem>>[vector<16xi32>], vector<16xf32>,
        %mul3A_344 = arith.constant 8 : i32
        %mul3A_345 = arith.muli %scan3A_211, %mul3A_344 : i32
        %add3A_346 = arith.constant 5 : i32
        %add3A_347 = arith.addi %mul3A_345, %add3A_346 : i32
        %mul3A_348 = arith.constant 16 : i32
        %mul3A_349 = arith.muli %add3A_347, %mul3A_348 : i32
        %get3A_350 = arith.constant 1 : i32
        %get3A_351 = arith.index_cast %get3A_350 : i32 to index
        %get3A_352 = arith.index_cast %mul3A_349 : i32 to index
        %get3A_353 = tpu.vector_load %arg4[%get3A_351, %get3A_352] {strides = array<i32>} : memref<2x16384xf32, #tpu.memory_space<vmem>>, vector<16xf32>,
        %mul3A_354 = arith.constant 2.550000e+02 : f32
        %mul3A_355 = vector.broadcast %mul3A_354 : f32 to vector<16xf32>
        %mul3A_356 = arith.mulf %get3A_353, %mul3A_355 : vector<16xf32>
        %mul3A_357 = arith.constant 1.00392163 : f32
        %mul3A_358 = vector.broadcast %mul3A_357 : f32 to vector<16xf32>
        %mul3A_359 = arith.mulf %mul3A_356, %mul3A_358 : vector<16xf32>
        %convert_element_type3A_360 = arith.fptosi %mul3A_359 : vector<16xf32> to vector<16xi32>
        %min3A_361 = arith.constant 255 : i32
        %min3A_362 = vector.broadcast %min3A_361 : i32 to vector<16xi32>
        %min3A_363 = arith.minsi %convert_element_type3A_360, %min3A_362 : vector<16xi32>
        %max3A_364 = arith.constant 0 : i32
        %max3A_365 = vector.broadcast %max3A_364 : i32 to vector<16xi32>
        %max3A_366 = arith.maxsi %min3A_363, %max3A_365 : vector<16xi32>
        %mul3A_367 = arith.constant 16 : i32
        %mul3A_368 = vector.broadcast %mul3A_367 : i32 to vector<16xi32>
        %mul3A_369 = arith.muli %max3A_366, %mul3A_368 : vector<16xi32>
        %add3A_370 = arith.addi %mul3A_369, %add3A_188 : vector<16xi32>
        tpu.vector_store_idx %arg5[%add3A_370], %broadcast_in_dim3A_3 {add = true} : memref<12288xf32, #tpu.memory_space<vmem>>[vector<16xi32>], vector<16xf32>,
        %mul3A_371 = arith.constant 8 : i32
        %mul3A_372 = arith.muli %scan3A_211, %mul3A_371 : i32
        %add3A_373 = arith.constant 6 : i32
        %add3A_374 = arith.addi %mul3A_372, %add3A_373 : i32
        %mul3A_375 = arith.constant 16 : i32
        %mul3A_376 = arith.muli %add3A_374, %mul3A_375 : i32
        %get3A_377 = arith.constant 1 : i32
        %get3A_378 = arith.index_cast %get3A_377 : i32 to index
        %get3A_379 = arith.index_cast %mul3A_376 : i32 to index
        %get3A_380 = tpu.vector_load %arg4[%get3A_378, %get3A_379] {strides = array<i32>} : memref<2x16384xf32, #tpu.memory_space<vmem>>, vector<16xf32>,
        %mul3A_381 = arith.constant 2.550000e+02 : f32
        %mul3A_382 = vector.broadcast %mul3A_381 : f32 to vector<16xf32>
        %mul3A_383 = arith.mulf %get3A_380, %mul3A_382 : vector<16xf32>
        %mul3A_384 = arith.constant 1.00392163 : f32
        %mul3A_385 = vector.broadcast %mul3A_384 : f32 to vector<16xf32>
        %mul3A_386 = arith.mulf %mul3A_383, %mul3A_385 : vector<16xf32>
        %convert_element_type3A_387 = arith.fptosi %mul3A_386 : vector<16xf32> to vector<16xi32>
        %min3A_388 = arith.constant 255 : i32
        %min3A_389 = vector.broadcast %min3A_388 : i32 to vector<16xi32>
        %min3A_390 = arith.minsi %convert_element_type3A_387, %min3A_389 : vector<16xi32>
        %max3A_391 = arith.constant 0 : i32
        %max3A_392 = vector.broadcast %max3A_391 : i32 to vector<16xi32>
        %max3A_393 = arith.maxsi %min3A_390, %max3A_392 : vector<16xi32>
        %mul3A_394 = arith.constant 16 : i32
        %mul3A_395 = vector.broadcast %mul3A_394 : i32 to vector<16xi32>
        %mul3A_396 = arith.muli %max3A_393, %mul3A_395 : vector<16xi32>
        %add3A_397 = arith.addi %mul3A_396, %add3A_188 : vector<16xi32>
        tpu.vector_store_idx %arg5[%add3A_397], %broadcast_in_dim3A_3 {add = true} : memref<12288xf32, #tpu.memory_space<vmem>>[vector<16xi32>], vector<16xf32>,
        %mul3A_398 = arith.constant 8 : i32
        %mul3A_399 = arith.muli %scan3A_211, %mul3A_398 : i32
        %add3A_400 = arith.constant 7 : i32
        %add3A_401 = arith.addi %mul3A_399, %add3A_400 : i32
        %mul3A_402 = arith.constant 16 : i32
        %mul3A_403 = arith.muli %add3A_401, %mul3A_402 : i32
        %get3A_404 = arith.constant 1 : i32
        %get3A_405 = arith.index_cast %get3A_404 : i32 to index
        %get3A_406 = arith.index_cast %mul3A_403 : i32 to index
        %get3A_407 = tpu.vector_load %arg4[%get3A_405, %get3A_406] {strides = array<i32>} : memref<2x16384xf32, #tpu.memory_space<vmem>>, vector<16xf32>,
        %mul3A_408 = arith.constant 2.550000e+02 : f32
        %mul3A_409 = vector.broadcast %mul3A_408 : f32 to vector<16xf32>
        %mul3A_410 = arith.mulf %get3A_407, %mul3A_409 : vector<16xf32>
        %mul3A_411 = arith.constant 1.00392163 : f32
        %mul3A_412 = vector.broadcast %mul3A_411 : f32 to vector<16xf32>
        %mul3A_413 = arith.mulf %mul3A_410, %mul3A_412 : vector<16xf32>
        %convert_element_type3A_414 = arith.fptosi %mul3A_413 : vector<16xf32> to vector<16xi32>
        %min3A_415 = arith.constant 255 : i32
        %min3A_416 = vector.broadcast %min3A_415 : i32 to vector<16xi32>
        %min3A_417 = arith.minsi %convert_element_type3A_414, %min3A_416 : vector<16xi32>
        %max3A_418 = arith.constant 0 : i32
        %max3A_419 = vector.broadcast %max3A_418 : i32 to vector<16xi32>
        %max3A_420 = arith.maxsi %min3A_417, %max3A_419 : vector<16xi32>
        %mul3A_421 = arith.constant 16 : i32
        %mul3A_422 = vector.broadcast %mul3A_421 : i32 to vector<16xi32>
        %mul3A_423 = arith.muli %max3A_420, %mul3A_422 : vector<16xi32>
        %add3A_424 = arith.addi %mul3A_423, %add3A_188 : vector<16xi32>
        tpu.vector_store_idx %arg5[%add3A_424], %broadcast_in_dim3A_3 {add = true} : memref<12288xf32, #tpu.memory_space<vmem>>[vector<16xi32>], vector<16xf32>,
        %scan3A_425 = arith.constant 0 : i32
        scf.yield %scan3A_425 : i32
      }
      %scan3A_195 = arith.constant 128 : i32
      %add3A_196 = arith.constant 2 : i32
      %add3A_197 = arith.addi %add3A_148, %add3A_196 : i32
      %mul3A_198 = arith.constant 16384 : i32
      %mul3A_199 = arith.muli %add3A_197, %mul3A_198 : i32
      %add3A_200 = arith.addi %mul3A_2, %mul3A_199 : i32
      %dma_start3A_201 = arith.constant 1 : i32
      %dma_start3A_202 = arith.constant 0 : i32
      %dma_start3A_203 = tpu.memref_slice %arg4[%dma_start3A_201, %dma_start3A_202] : memref<2x16384xf32, #tpu.memory_space<vmem>> -> memref<1x16384xf32, #tpu.memory_space<vmem>>
      %dma_start3A_204 = tpu.memref_squeeze %dma_start3A_203 : memref<1x16384xf32, #tpu.memory_space<vmem>> -> memref<16384xf32, #tpu.memory_space<vmem>>
      %dma_start3A_205 = tpu.memref_slice %arg2[%add3A_200] : memref<25165824xf32, #tpu.memory_space<hbm>> -> memref<16384xf32, #tpu.memory_space<hbm>>
      %dma_start3A_206 = arith.constant 0 : i32
      %dma_start3A_207 = tpu.memref_slice %arg4[%dma_start3A_201, %dma_start3A_206] : memref<2x16384xf32, #tpu.memory_space<vmem>> -> memref<1x16384xf32, #tpu.memory_space<vmem>>
      %dma_start3A_208 = tpu.memref_squeeze %dma_start3A_207 : memref<1x16384xf32, #tpu.memory_space<vmem>> -> memref<16384xf32, #tpu.memory_space<vmem>>
      %dma_start3A_209 = tpu.memref_slice %arg2[%add3A_200] : memref<25165824xf32, #tpu.memory_space<hbm>> -> memref<16384xf32, #tpu.memory_space<hbm>>
      tpu.enqueue_dma source(%dma_start3A_209 : memref<16384xf32, #tpu.memory_space<hbm>>) target(%dma_start3A_208 : memref<16384xf32, #tpu.memory_space<vmem>>) target_semaphore(%arg8 : memref<!tpu.dma_semaphore, #tpu.memory_space<semaphore_mem>>)
      %scan3A_210 = arith.constant 0 : i32
      scf.yield %scan3A_210 : i32
    }
    %scan3A_37 = arith.constant 23 : i32
    %add3A_38 = arith.constant 753664 : i32
    %add3A_39 = arith.addi %mul3A_2, %add3A_38 : i32
    %dma_wait3A = arith.constant 0 : i32
    %dma_wait3A_40 = arith.constant 0 : i32
    %dma_wait3A_41 = tpu.memref_slice %arg4[%dma_wait3A, %dma_wait3A_40] : memref<2x16384xf32, #tpu.memory_space<vmem>> -> memref<1x16384xf32, #tpu.memory_space<vmem>>
    %dma_wait3A_42 = tpu.memref_squeeze %dma_wait3A_41 : memref<1x16384xf32, #tpu.memory_space<vmem>> -> memref<16384xf32, #tpu.memory_space<vmem>>
    %dma_wait3A_43 = tpu.memref_slice %arg2[%add3A_39] : memref<25165824xf32, #tpu.memory_space<hbm>> -> memref<16384xf32, #tpu.memory_space<hbm>>
    %dma_wait3A_44 = arith.constant 0 : i32
    %dma_wait3A_45 = tpu.memref_slice %arg4[%dma_wait3A, %dma_wait3A_44] : memref<2x16384xf32, #tpu.memory_space<vmem>> -> memref<1x16384xf32, #tpu.memory_space<vmem>>
    %dma_wait3A_46 = tpu.memref_squeeze %dma_wait3A_45 : memref<1x16384xf32, #tpu.memory_space<vmem>> -> memref<16384xf32, #tpu.memory_space<vmem>>
    %dma_wait3A_47 = tpu.memref_slice %arg2[%add3A_39] : memref<25165824xf32, #tpu.memory_space<hbm>> -> memref<16384xf32, #tpu.memory_space<hbm>>
    tpu.wait_dma2 semaphore(%arg7 : memref<!tpu.dma_semaphore, #tpu.memory_space<semaphore_mem>>) src(%dma_wait3A_47 : memref<16384xf32, #tpu.memory_space<hbm>>) dst(%dma_wait3A_46 : memref<16384xf32, #tpu.memory_space<vmem>>)
    %add3A_48 = arith.constant 8192 : i32
    %add3A_49 = vector.broadcast %add3A_48 : i32 to vector<16xi32>
    %add3A_50 = arith.addi %iota3A, %add3A_49 : vector<16xi32>
    %scan3A_51 = arith.constant 0 : i32
    %scan3A_52 = arith.constant 0 : i32
    %scan3A_53 = arith.constant 128 : i32
    %scan3A_54 = arith.addi %scan3A_52, %scan3A_53 : i32
    %scan3A_55 = arith.constant 1 : i32
    %scan3A_56 = scf.for %scan3A_86 = %scan3A_52 to %scan3A_54 step %scan3A_55 iter_args(%scan3A_87 = %scan3A_51) -> (i32)  : i32 {
      %mul3A_88 = arith.constant 8 : i32
      %mul3A_89 = arith.muli %scan3A_86, %mul3A_88 : i32
      %add3A_90 = arith.constant 0 : i32
      %add3A_91 = arith.addi %mul3A_89, %add3A_90 : i32
      %mul3A_92 = arith.constant 16 : i32
      %mul3A_93 = arith.muli %add3A_91, %mul3A_92 : i32
      %get3A = arith.constant 0 : i32
      %get3A_94 = arith.index_cast %get3A : i32 to index
      %get3A_95 = arith.index_cast %mul3A_93 : i32 to index
      %get3A_96 = tpu.vector_load %arg4[%get3A_94, %get3A_95] {strides = array<i32>} : memref<2x16384xf32, #tpu.memory_space<vmem>>, vector<16xf32>,
      %mul3A_97 = arith.constant 2.550000e+02 : f32
      %mul3A_98 = vector.broadcast %mul3A_97 : f32 to vector<16xf32>
      %mul3A_99 = arith.mulf %get3A_96, %mul3A_98 : vector<16xf32>
      %mul3A_100 = arith.constant 1.00392163 : f32
      %mul3A_101 = vector.broadcast %mul3A_100 : f32 to vector<16xf32>
      %mul3A_102 = arith.mulf %mul3A_99, %mul3A_101 : vector<16xf32>
      %convert_element_type3A = arith.fptosi %mul3A_102 : vector<16xf32> to vector<16xi32>
      %min3A = arith.constant 255 : i32
      %min3A_103 = vector.broadcast %min3A : i32 to vector<16xi32>
      %min3A_104 = arith.minsi %convert_element_type3A, %min3A_103 : vector<16xi32>
      %max3A = arith.constant 0 : i32
      %max3A_105 = vector.broadcast %max3A : i32 to vector<16xi32>
      %max3A_106 = arith.maxsi %min3A_104, %max3A_105 : vector<16xi32>
      %mul3A_107 = arith.constant 16 : i32
      %mul3A_108 = vector.broadcast %mul3A_107 : i32 to vector<16xi32>
      %mul3A_109 = arith.muli %max3A_106, %mul3A_108 : vector<16xi32>
      %add3A_110 = arith.addi %mul3A_109, %add3A_50 : vector<16xi32>
      tpu.vector_store_idx %arg5[%add3A_110], %broadcast_in_dim3A_3 {add = true} : memref<12288xf32, #tpu.memory_space<vmem>>[vector<16xi32>], vector<16xf32>,
      %mul3A_111 = arith.constant 8 : i32
      %mul3A_112 = arith.muli %scan3A_86, %mul3A_111 : i32
      %add3A_113 = arith.constant 1 : i32
      %add3A_114 = arith.addi %mul3A_112, %add3A_113 : i32
      %mul3A_115 = arith.constant 16 : i32
      %mul3A_116 = arith.muli %add3A_114, %mul3A_115 : i32
      %get3A_117 = arith.constant 0 : i32
      %get3A_118 = arith.index_cast %get3A_117 : i32 to index
      %get3A_119 = arith.index_cast %mul3A_116 : i32 to index
      %get3A_120 = tpu.vector_load %arg4[%get3A_118, %get3A_119] {strides = array<i32>} : memref<2x16384xf32, #tpu.memory_space<vmem>>, vector<16xf32>,
      %mul3A_121 = arith.constant 2.550000e+02 : f32
      %mul3A_122 = vector.broadcast %mul3A_121 : f32 to vector<16xf32>
      %mul3A_123 = arith.mulf %get3A_120, %mul3A_122 : vector<16xf32>
      %mul3A_124 = arith.constant 1.00392163 : f32
      %mul3A_125 = vector.broadcast %mul3A_124 : f32 to vector<16xf32>
      %mul3A_126 = arith.mulf %mul3A_123, %mul3A_125 : vector<16xf32>
      %convert_element_type3A_127 = arith.fptosi %mul3A_126 : vector<16xf32> to vector<16xi32>
      %min3A_128 = arith.constant 255 : i32
      %min3A_129 = vector.broadcast %min3A_128 : i32 to vector<16xi32>
      %min3A_130 = arith.minsi %convert_element_type3A_127, %min3A_129 : vector<16xi32>
      %max3A_131 = arith.constant 0 : i32
      %max3A_132 = vector.broadcast %max3A_131 : i32 to vector<16xi32>
      %max3A_133 = arith.maxsi %min3A_130, %max3A_132 : vector<16xi32>
      %mul3A_134 = arith.constant 16 : i32
      %mul3A_135 = vector.broadcast %mul3A_134 : i32 to vector<16xi32>
      %mul3A_136 = arith.muli %max3A_133, %mul3A_135 : vector<16xi32>
      %add3A_137 = arith.addi %mul3A_136, %add3A_50 : vector<16xi32>
      tpu.vector_store_idx %arg5[%add3A_137], %broadcast_in_dim3A_3 {add = true} : memref<12288xf32, #tpu.memory_space<vmem>>[vector<16xi32>], vector<16xf32>,
      %mul3A_138 = arith.constant 8 : i32
      %mul3A_139 = arith.muli %scan3A_86, %mul3A_138 : i32
      %add3A_140 = arith.constant 2 : i32
      %add3A_141 = arith.addi %mul3A_139, %add3A_140 : i32
      %mul3A_142 = arith.constant 16 : i32
      %mul3A_143 = arith.muli %add3A_141, %mul3A_142 : i32
      %get3A_144 = arith.constant 0 : i32
      %get3A_145 = arith.index_cast %get3A_144 : i32 to index
      %get3A_146 = arith.index_cast %mul3A_143 : i32 to index
      %get3A_147 = tpu.vector_load %arg4[%get3A_145, %get3A_146] {strides = array<i32>} : memref<2x16384xf32, #tpu.memory_space<vmem>>, vector<16xf32>,
      %mul3A_148 = arith.constant 2.550000e+02 : f32
      %mul3A_149 = vector.broadcast %mul3A_148 : f32 to vector<16xf32>
      %mul3A_150 = arith.mulf %get3A_147, %mul3A_149 : vector<16xf32>
      %mul3A_151 = arith.constant 1.00392163 : f32
      %mul3A_152 = vector.broadcast %mul3A_151 : f32 to vector<16xf32>
      %mul3A_153 = arith.mulf %mul3A_150, %mul3A_152 : vector<16xf32>
      %convert_element_type3A_154 = arith.fptosi %mul3A_153 : vector<16xf32> to vector<16xi32>
      %min3A_155 = arith.constant 255 : i32
      %min3A_156 = vector.broadcast %min3A_155 : i32 to vector<16xi32>
      %min3A_157 = arith.minsi %convert_element_type3A_154, %min3A_156 : vector<16xi32>
      %max3A_158 = arith.constant 0 : i32
      %max3A_159 = vector.broadcast %max3A_158 : i32 to vector<16xi32>
      %max3A_160 = arith.maxsi %min3A_157, %max3A_159 : vector<16xi32>
      %mul3A_161 = arith.constant 16 : i32
      %mul3A_162 = vector.broadcast %mul3A_161 : i32 to vector<16xi32>
      %mul3A_163 = arith.muli %max3A_160, %mul3A_162 : vector<16xi32>
      %add3A_164 = arith.addi %mul3A_163, %add3A_50 : vector<16xi32>
      tpu.vector_store_idx %arg5[%add3A_164], %broadcast_in_dim3A_3 {add = true} : memref<12288xf32, #tpu.memory_space<vmem>>[vector<16xi32>], vector<16xf32>,
      %mul3A_165 = arith.constant 8 : i32
      %mul3A_166 = arith.muli %scan3A_86, %mul3A_165 : i32
      %add3A_167 = arith.constant 3 : i32
      %add3A_168 = arith.addi %mul3A_166, %add3A_167 : i32
      %mul3A_169 = arith.constant 16 : i32
      %mul3A_170 = arith.muli %add3A_168, %mul3A_169 : i32
      %get3A_171 = arith.constant 0 : i32
      %get3A_172 = arith.index_cast %get3A_171 : i32 to index
      %get3A_173 = arith.index_cast %mul3A_170 : i32 to index
      %get3A_174 = tpu.vector_load %arg4[%get3A_172, %get3A_173] {strides = array<i32>} : memref<2x16384xf32, #tpu.memory_space<vmem>>, vector<16xf32>,
      %mul3A_175 = arith.constant 2.550000e+02 : f32
      %mul3A_176 = vector.broadcast %mul3A_175 : f32 to vector<16xf32>
      %mul3A_177 = arith.mulf %get3A_174, %mul3A_176 : vector<16xf32>
      %mul3A_178 = arith.constant 1.00392163 : f32
      %mul3A_179 = vector.broadcast %mul3A_178 : f32 to vector<16xf32>
      %mul3A_180 = arith.mulf %mul3A_177, %mul3A_179 : vector<16xf32>
      %convert_element_type3A_181 = arith.fptosi %mul3A_180 : vector<16xf32> to vector<16xi32>
      %min3A_182 = arith.constant 255 : i32
      %min3A_183 = vector.broadcast %min3A_182 : i32 to vector<16xi32>
      %min3A_184 = arith.minsi %convert_element_type3A_181, %min3A_183 : vector<16xi32>
      %max3A_185 = arith.constant 0 : i32
      %max3A_186 = vector.broadcast %max3A_185 : i32 to vector<16xi32>
      %max3A_187 = arith.maxsi %min3A_184, %max3A_186 : vector<16xi32>
      %mul3A_188 = arith.constant 16 : i32
      %mul3A_189 = vector.broadcast %mul3A_188 : i32 to vector<16xi32>
      %mul3A_190 = arith.muli %max3A_187, %mul3A_189 : vector<16xi32>
      %add3A_191 = arith.addi %mul3A_190, %add3A_50 : vector<16xi32>
      tpu.vector_store_idx %arg5[%add3A_191], %broadcast_in_dim3A_3 {add = true} : memref<12288xf32, #tpu.memory_space<vmem>>[vector<16xi32>], vector<16xf32>,
      %mul3A_192 = arith.constant 8 : i32
      %mul3A_193 = arith.muli %scan3A_86, %mul3A_192 : i32
      %add3A_194 = arith.constant 4 : i32
      %add3A_195 = arith.addi %mul3A_193, %add3A_194 : i32
      %mul3A_196 = arith.constant 16 : i32
      %mul3A_197 = arith.muli %add3A_195, %mul3A_196 : i32
      %get3A_198 = arith.constant 0 : i32
      %get3A_199 = arith.index_cast %get3A_198 : i32 to index
      %get3A_200 = arith.index_cast %mul3A_197 : i32 to index
      %get3A_201 = tpu.vector_load %arg4[%get3A_199, %get3A_200] {strides = array<i32>} : memref<2x16384xf32, #tpu.memory_space<vmem>>, vector<16xf32>,
      %mul3A_202 = arith.constant 2.550000e+02 : f32
      %mul3A_203 = vector.broadcast %mul3A_202 : f32 to vector<16xf32>
      %mul3A_204 = arith.mulf %get3A_201, %mul3A_203 : vector<16xf32>
      %mul3A_205 = arith.constant 1.00392163 : f32
      %mul3A_206 = vector.broadcast %mul3A_205 : f32 to vector<16xf32>
      %mul3A_207 = arith.mulf %mul3A_204, %mul3A_206 : vector<16xf32>
      %convert_element_type3A_208 = arith.fptosi %mul3A_207 : vector<16xf32> to vector<16xi32>
      %min3A_209 = arith.constant 255 : i32
      %min3A_210 = vector.broadcast %min3A_209 : i32 to vector<16xi32>
      %min3A_211 = arith.minsi %convert_element_type3A_208, %min3A_210 : vector<16xi32>
      %max3A_212 = arith.constant 0 : i32
      %max3A_213 = vector.broadcast %max3A_212 : i32 to vector<16xi32>
      %max3A_214 = arith.maxsi %min3A_211, %max3A_213 : vector<16xi32>
      %mul3A_215 = arith.constant 16 : i32
      %mul3A_216 = vector.broadcast %mul3A_215 : i32 to vector<16xi32>
      %mul3A_217 = arith.muli %max3A_214, %mul3A_216 : vector<16xi32>
      %add3A_218 = arith.addi %mul3A_217, %add3A_50 : vector<16xi32>
      tpu.vector_store_idx %arg5[%add3A_218], %broadcast_in_dim3A_3 {add = true} : memref<12288xf32, #tpu.memory_space<vmem>>[vector<16xi32>], vector<16xf32>,
      %mul3A_219 = arith.constant 8 : i32
      %mul3A_220 = arith.muli %scan3A_86, %mul3A_219 : i32
      %add3A_221 = arith.constant 5 : i32
      %add3A_222 = arith.addi %mul3A_220, %add3A_221 : i32
      %mul3A_223 = arith.constant 16 : i32
      %mul3A_224 = arith.muli %add3A_222, %mul3A_223 : i32
      %get3A_225 = arith.constant 0 : i32
      %get3A_226 = arith.index_cast %get3A_225 : i32 to index
      %get3A_227 = arith.index_cast %mul3A_224 : i32 to index
      %get3A_228 = tpu.vector_load %arg4[%get3A_226, %get3A_227] {strides = array<i32>} : memref<2x16384xf32, #tpu.memory_space<vmem>>, vector<16xf32>,
      %mul3A_229 = arith.constant 2.550000e+02 : f32
      %mul3A_230 = vector.broadcast %mul3A_229 : f32 to vector<16xf32>
      %mul3A_231 = arith.mulf %get3A_228, %mul3A_230 : vector<16xf32>
      %mul3A_232 = arith.constant 1.00392163 : f32
      %mul3A_233 = vector.broadcast %mul3A_232 : f32 to vector<16xf32>
      %mul3A_234 = arith.mulf %mul3A_231, %mul3A_233 : vector<16xf32>
      %convert_element_type3A_235 = arith.fptosi %mul3A_234 : vector<16xf32> to vector<16xi32>
      %min3A_236 = arith.constant 255 : i32
      %min3A_237 = vector.broadcast %min3A_236 : i32 to vector<16xi32>
      %min3A_238 = arith.minsi %convert_element_type3A_235, %min3A_237 : vector<16xi32>
      %max3A_239 = arith.constant 0 : i32
      %max3A_240 = vector.broadcast %max3A_239 : i32 to vector<16xi32>
      %max3A_241 = arith.maxsi %min3A_238, %max3A_240 : vector<16xi32>
      %mul3A_242 = arith.constant 16 : i32
      %mul3A_243 = vector.broadcast %mul3A_242 : i32 to vector<16xi32>
      %mul3A_244 = arith.muli %max3A_241, %mul3A_243 : vector<16xi32>
      %add3A_245 = arith.addi %mul3A_244, %add3A_50 : vector<16xi32>
      tpu.vector_store_idx %arg5[%add3A_245], %broadcast_in_dim3A_3 {add = true} : memref<12288xf32, #tpu.memory_space<vmem>>[vector<16xi32>], vector<16xf32>,
      %mul3A_246 = arith.constant 8 : i32
      %mul3A_247 = arith.muli %scan3A_86, %mul3A_246 : i32
      %add3A_248 = arith.constant 6 : i32
      %add3A_249 = arith.addi %mul3A_247, %add3A_248 : i32
      %mul3A_250 = arith.constant 16 : i32
      %mul3A_251 = arith.muli %add3A_249, %mul3A_250 : i32
      %get3A_252 = arith.constant 0 : i32
      %get3A_253 = arith.index_cast %get3A_252 : i32 to index
      %get3A_254 = arith.index_cast %mul3A_251 : i32 to index
      %get3A_255 = tpu.vector_load %arg4[%get3A_253, %get3A_254] {strides = array<i32>} : memref<2x16384xf32, #tpu.memory_space<vmem>>, vector<16xf32>,
      %mul3A_256 = arith.constant 2.550000e+02 : f32
      %mul3A_257 = vector.broadcast %mul3A_256 : f32 to vector<16xf32>
      %mul3A_258 = arith.mulf %get3A_255, %mul3A_257 : vector<16xf32>
      %mul3A_259 = arith.constant 1.00392163 : f32
      %mul3A_260 = vector.broadcast %mul3A_259 : f32 to vector<16xf32>
      %mul3A_261 = arith.mulf %mul3A_258, %mul3A_260 : vector<16xf32>
      %convert_element_type3A_262 = arith.fptosi %mul3A_261 : vector<16xf32> to vector<16xi32>
      %min3A_263 = arith.constant 255 : i32
      %min3A_264 = vector.broadcast %min3A_263 : i32 to vector<16xi32>
      %min3A_265 = arith.minsi %convert_element_type3A_262, %min3A_264 : vector<16xi32>
      %max3A_266 = arith.constant 0 : i32
      %max3A_267 = vector.broadcast %max3A_266 : i32 to vector<16xi32>
      %max3A_268 = arith.maxsi %min3A_265, %max3A_267 : vector<16xi32>
      %mul3A_269 = arith.constant 16 : i32
      %mul3A_270 = vector.broadcast %mul3A_269 : i32 to vector<16xi32>
      %mul3A_271 = arith.muli %max3A_268, %mul3A_270 : vector<16xi32>
      %add3A_272 = arith.addi %mul3A_271, %add3A_50 : vector<16xi32>
      tpu.vector_store_idx %arg5[%add3A_272], %broadcast_in_dim3A_3 {add = true} : memref<12288xf32, #tpu.memory_space<vmem>>[vector<16xi32>], vector<16xf32>,
      %mul3A_273 = arith.constant 8 : i32
      %mul3A_274 = arith.muli %scan3A_86, %mul3A_273 : i32
      %add3A_275 = arith.constant 7 : i32
      %add3A_276 = arith.addi %mul3A_274, %add3A_275 : i32
      %mul3A_277 = arith.constant 16 : i32
      %mul3A_278 = arith.muli %add3A_276, %mul3A_277 : i32
      %get3A_279 = arith.constant 0 : i32
      %get3A_280 = arith.index_cast %get3A_279 : i32 to index
      %get3A_281 = arith.index_cast %mul3A_278 : i32 to index
      %get3A_282 = tpu.vector_load %arg4[%get3A_280, %get3A_281] {strides = array<i32>} : memref<2x16384xf32, #tpu.memory_space<vmem>>, vector<16xf32>,
      %mul3A_283 = arith.constant 2.550000e+02 : f32
      %mul3A_284 = vector.broadcast %mul3A_283 : f32 to vector<16xf32>
      %mul3A_285 = arith.mulf %get3A_282, %mul3A_284 : vector<16xf32>
      %mul3A_286 = arith.constant 1.00392163 : f32
      %mul3A_287 = vector.broadcast %mul3A_286 : f32 to vector<16xf32>
      %mul3A_288 = arith.mulf %mul3A_285, %mul3A_287 : vector<16xf32>
      %convert_element_type3A_289 = arith.fptosi %mul3A_288 : vector<16xf32> to vector<16xi32>
      %min3A_290 = arith.constant 255 : i32
      %min3A_291 = vector.broadcast %min3A_290 : i32 to vector<16xi32>
      %min3A_292 = arith.minsi %convert_element_type3A_289, %min3A_291 : vector<16xi32>
      %max3A_293 = arith.constant 0 : i32
      %max3A_294 = vector.broadcast %max3A_293 : i32 to vector<16xi32>
      %max3A_295 = arith.maxsi %min3A_292, %max3A_294 : vector<16xi32>
      %mul3A_296 = arith.constant 16 : i32
      %mul3A_297 = vector.broadcast %mul3A_296 : i32 to vector<16xi32>
      %mul3A_298 = arith.muli %max3A_295, %mul3A_297 : vector<16xi32>
      %add3A_299 = arith.addi %mul3A_298, %add3A_50 : vector<16xi32>
      tpu.vector_store_idx %arg5[%add3A_299], %broadcast_in_dim3A_3 {add = true} : memref<12288xf32, #tpu.memory_space<vmem>>[vector<16xi32>], vector<16xf32>,
      %scan3A_300 = arith.constant 0 : i32
      scf.yield %scan3A_300 : i32
    }
    %scan3A_57 = arith.constant 128 : i32
    %add3A_58 = arith.constant 770048 : i32
    %add3A_59 = arith.addi %mul3A_2, %add3A_58 : i32
    %dma_wait3A_60 = arith.constant 1 : i32
    %dma_wait3A_61 = arith.constant 0 : i32
    %dma_wait3A_62 = tpu.memref_slice %arg4[%dma_wait3A_60, %dma_wait3A_61] : memref<2x16384xf32, #tpu.memory_space<vmem>> -> memref<1x16384xf32, #tpu.memory_space<vmem>>
    %dma_wait3A_63 = tpu.memref_squeeze %dma_wait3A_62 : memref<1x16384xf32, #tpu.memory_space<vmem>> -> memref<16384xf32, #tpu.memory_space<vmem>>
    %dma_wait3A_64 = tpu.memref_slice %arg2[%add3A_59] : memref<25165824xf32, #tpu.memory_space<hbm>> -> memref<16384xf32, #tpu.memory_space<hbm>>
    %dma_wait3A_65 = arith.constant 0 : i32
    %dma_wait3A_66 = tpu.memref_slice %arg4[%dma_wait3A_60, %dma_wait3A_65] : memref<2x16384xf32, #tpu.memory_space<vmem>> -> memref<1x16384xf32, #tpu.memory_space<vmem>>
    %dma_wait3A_67 = tpu.memref_squeeze %dma_wait3A_66 : memref<1x16384xf32, #tpu.memory_space<vmem>> -> memref<16384xf32, #tpu.memory_space<vmem>>
    %dma_wait3A_68 = tpu.memref_slice %arg2[%add3A_59] : memref<25165824xf32, #tpu.memory_space<hbm>> -> memref<16384xf32, #tpu.memory_space<hbm>>
    tpu.wait_dma2 semaphore(%arg8 : memref<!tpu.dma_semaphore, #tpu.memory_space<semaphore_mem>>) src(%dma_wait3A_68 : memref<16384xf32, #tpu.memory_space<hbm>>) dst(%dma_wait3A_67 : memref<16384xf32, #tpu.memory_space<vmem>>)
    %add3A_69 = arith.constant 8192 : i32
    %add3A_70 = vector.broadcast %add3A_69 : i32 to vector<16xi32>
    %add3A_71 = arith.addi %iota3A, %add3A_70 : vector<16xi32>
    %scan3A_72 = arith.constant 0 : i32
    %scan3A_73 = arith.constant 0 : i32
    %scan3A_74 = arith.constant 128 : i32
    %scan3A_75 = arith.addi %scan3A_73, %scan3A_74 : i32
    %scan3A_76 = arith.constant 1 : i32
    %scan3A_77 = scf.for %scan3A_86 = %scan3A_73 to %scan3A_75 step %scan3A_76 iter_args(%scan3A_87 = %scan3A_72) -> (i32)  : i32 {
      %mul3A_88 = arith.constant 8 : i32
      %mul3A_89 = arith.muli %scan3A_86, %mul3A_88 : i32
      %add3A_90 = arith.constant 0 : i32
      %add3A_91 = arith.addi %mul3A_89, %add3A_90 : i32
      %mul3A_92 = arith.constant 16 : i32
      %mul3A_93 = arith.muli %add3A_91, %mul3A_92 : i32
      %get3A = arith.constant 1 : i32
      %get3A_94 = arith.index_cast %get3A : i32 to index
      %get3A_95 = arith.index_cast %mul3A_93 : i32 to index
      %get3A_96 = tpu.vector_load %arg4[%get3A_94, %get3A_95] {strides = array<i32>} : memref<2x16384xf32, #tpu.memory_space<vmem>>, vector<16xf32>,
      %mul3A_97 = arith.constant 2.550000e+02 : f32
      %mul3A_98 = vector.broadcast %mul3A_97 : f32 to vector<16xf32>
      %mul3A_99 = arith.mulf %get3A_96, %mul3A_98 : vector<16xf32>
      %mul3A_100 = arith.constant 1.00392163 : f32
      %mul3A_101 = vector.broadcast %mul3A_100 : f32 to vector<16xf32>
      %mul3A_102 = arith.mulf %mul3A_99, %mul3A_101 : vector<16xf32>
      %convert_element_type3A = arith.fptosi %mul3A_102 : vector<16xf32> to vector<16xi32>
      %min3A = arith.constant 255 : i32
      %min3A_103 = vector.broadcast %min3A : i32 to vector<16xi32>
      %min3A_104 = arith.minsi %convert_element_type3A, %min3A_103 : vector<16xi32>
      %max3A = arith.constant 0 : i32
      %max3A_105 = vector.broadcast %max3A : i32 to vector<16xi32>
      %max3A_106 = arith.maxsi %min3A_104, %max3A_105 : vector<16xi32>
      %mul3A_107 = arith.constant 16 : i32
      %mul3A_108 = vector.broadcast %mul3A_107 : i32 to vector<16xi32>
      %mul3A_109 = arith.muli %max3A_106, %mul3A_108 : vector<16xi32>
      %add3A_110 = arith.addi %mul3A_109, %add3A_71 : vector<16xi32>
      tpu.vector_store_idx %arg5[%add3A_110], %broadcast_in_dim3A_3 {add = true} : memref<12288xf32, #tpu.memory_space<vmem>>[vector<16xi32>], vector<16xf32>,
      %mul3A_111 = arith.constant 8 : i32
      %mul3A_112 = arith.muli %scan3A_86, %mul3A_111 : i32
      %add3A_113 = arith.constant 1 : i32
      %add3A_114 = arith.addi %mul3A_112, %add3A_113 : i32
      %mul3A_115 = arith.constant 16 : i32
      %mul3A_116 = arith.muli %add3A_114, %mul3A_115 : i32
      %get3A_117 = arith.constant 1 : i32
      %get3A_118 = arith.index_cast %get3A_117 : i32 to index
      %get3A_119 = arith.index_cast %mul3A_116 : i32 to index
      %get3A_120 = tpu.vector_load %arg4[%get3A_118, %get3A_119] {strides = array<i32>} : memref<2x16384xf32, #tpu.memory_space<vmem>>, vector<16xf32>,
      %mul3A_121 = arith.constant 2.550000e+02 : f32
      %mul3A_122 = vector.broadcast %mul3A_121 : f32 to vector<16xf32>
      %mul3A_123 = arith.mulf %get3A_120, %mul3A_122 : vector<16xf32>
      %mul3A_124 = arith.constant 1.00392163 : f32
      %mul3A_125 = vector.broadcast %mul3A_124 : f32 to vector<16xf32>
      %mul3A_126 = arith.mulf %mul3A_123, %mul3A_125 : vector<16xf32>
      %convert_element_type3A_127 = arith.fptosi %mul3A_126 : vector<16xf32> to vector<16xi32>
      %min3A_128 = arith.constant 255 : i32
      %min3A_129 = vector.broadcast %min3A_128 : i32 to vector<16xi32>
      %min3A_130 = arith.minsi %convert_element_type3A_127, %min3A_129 : vector<16xi32>
      %max3A_131 = arith.constant 0 : i32
      %max3A_132 = vector.broadcast %max3A_131 : i32 to vector<16xi32>
      %max3A_133 = arith.maxsi %min3A_130, %max3A_132 : vector<16xi32>
      %mul3A_134 = arith.constant 16 : i32
      %mul3A_135 = vector.broadcast %mul3A_134 : i32 to vector<16xi32>
      %mul3A_136 = arith.muli %max3A_133, %mul3A_135 : vector<16xi32>
      %add3A_137 = arith.addi %mul3A_136, %add3A_71 : vector<16xi32>
      tpu.vector_store_idx %arg5[%add3A_137], %broadcast_in_dim3A_3 {add = true} : memref<12288xf32, #tpu.memory_space<vmem>>[vector<16xi32>], vector<16xf32>,
      %mul3A_138 = arith.constant 8 : i32
      %mul3A_139 = arith.muli %scan3A_86, %mul3A_138 : i32
      %add3A_140 = arith.constant 2 : i32
      %add3A_141 = arith.addi %mul3A_139, %add3A_140 : i32
      %mul3A_142 = arith.constant 16 : i32
      %mul3A_143 = arith.muli %add3A_141, %mul3A_142 : i32
      %get3A_144 = arith.constant 1 : i32
      %get3A_145 = arith.index_cast %get3A_144 : i32 to index
      %get3A_146 = arith.index_cast %mul3A_143 : i32 to index
      %get3A_147 = tpu.vector_load %arg4[%get3A_145, %get3A_146] {strides = array<i32>} : memref<2x16384xf32, #tpu.memory_space<vmem>>, vector<16xf32>,
      %mul3A_148 = arith.constant 2.550000e+02 : f32
      %mul3A_149 = vector.broadcast %mul3A_148 : f32 to vector<16xf32>
      %mul3A_150 = arith.mulf %get3A_147, %mul3A_149 : vector<16xf32>
      %mul3A_151 = arith.constant 1.00392163 : f32
      %mul3A_152 = vector.broadcast %mul3A_151 : f32 to vector<16xf32>
      %mul3A_153 = arith.mulf %mul3A_150, %mul3A_152 : vector<16xf32>
      %convert_element_type3A_154 = arith.fptosi %mul3A_153 : vector<16xf32> to vector<16xi32>
      %min3A_155 = arith.constant 255 : i32
      %min3A_156 = vector.broadcast %min3A_155 : i32 to vector<16xi32>
      %min3A_157 = arith.minsi %convert_element_type3A_154, %min3A_156 : vector<16xi32>
      %max3A_158 = arith.constant 0 : i32
      %max3A_159 = vector.broadcast %max3A_158 : i32 to vector<16xi32>
      %max3A_160 = arith.maxsi %min3A_157, %max3A_159 : vector<16xi32>
      %mul3A_161 = arith.constant 16 : i32
      %mul3A_162 = vector.broadcast %mul3A_161 : i32 to vector<16xi32>
      %mul3A_163 = arith.muli %max3A_160, %mul3A_162 : vector<16xi32>
      %add3A_164 = arith.addi %mul3A_163, %add3A_71 : vector<16xi32>
      tpu.vector_store_idx %arg5[%add3A_164], %broadcast_in_dim3A_3 {add = true} : memref<12288xf32, #tpu.memory_space<vmem>>[vector<16xi32>], vector<16xf32>,
      %mul3A_165 = arith.constant 8 : i32
      %mul3A_166 = arith.muli %scan3A_86, %mul3A_165 : i32
      %add3A_167 = arith.constant 3 : i32
      %add3A_168 = arith.addi %mul3A_166, %add3A_167 : i32
      %mul3A_169 = arith.constant 16 : i32
      %mul3A_170 = arith.muli %add3A_168, %mul3A_169 : i32
      %get3A_171 = arith.constant 1 : i32
      %get3A_172 = arith.index_cast %get3A_171 : i32 to index
      %get3A_173 = arith.index_cast %mul3A_170 : i32 to index
      %get3A_174 = tpu.vector_load %arg4[%get3A_172, %get3A_173] {strides = array<i32>} : memref<2x16384xf32, #tpu.memory_space<vmem>>, vector<16xf32>,
      %mul3A_175 = arith.constant 2.550000e+02 : f32
      %mul3A_176 = vector.broadcast %mul3A_175 : f32 to vector<16xf32>
      %mul3A_177 = arith.mulf %get3A_174, %mul3A_176 : vector<16xf32>
      %mul3A_178 = arith.constant 1.00392163 : f32
      %mul3A_179 = vector.broadcast %mul3A_178 : f32 to vector<16xf32>
      %mul3A_180 = arith.mulf %mul3A_177, %mul3A_179 : vector<16xf32>
      %convert_element_type3A_181 = arith.fptosi %mul3A_180 : vector<16xf32> to vector<16xi32>
      %min3A_182 = arith.constant 255 : i32
      %min3A_183 = vector.broadcast %min3A_182 : i32 to vector<16xi32>
      %min3A_184 = arith.minsi %convert_element_type3A_181, %min3A_183 : vector<16xi32>
      %max3A_185 = arith.constant 0 : i32
      %max3A_186 = vector.broadcast %max3A_185 : i32 to vector<16xi32>
      %max3A_187 = arith.maxsi %min3A_184, %max3A_186 : vector<16xi32>
      %mul3A_188 = arith.constant 16 : i32
      %mul3A_189 = vector.broadcast %mul3A_188 : i32 to vector<16xi32>
      %mul3A_190 = arith.muli %max3A_187, %mul3A_189 : vector<16xi32>
      %add3A_191 = arith.addi %mul3A_190, %add3A_71 : vector<16xi32>
      tpu.vector_store_idx %arg5[%add3A_191], %broadcast_in_dim3A_3 {add = true} : memref<12288xf32, #tpu.memory_space<vmem>>[vector<16xi32>], vector<16xf32>,
      %mul3A_192 = arith.constant 8 : i32
      %mul3A_193 = arith.muli %scan3A_86, %mul3A_192 : i32
      %add3A_194 = arith.constant 4 : i32
      %add3A_195 = arith.addi %mul3A_193, %add3A_194 : i32
      %mul3A_196 = arith.constant 16 : i32
      %mul3A_197 = arith.muli %add3A_195, %mul3A_196 : i32
      %get3A_198 = arith.constant 1 : i32
      %get3A_199 = arith.index_cast %get3A_198 : i32 to index
      %get3A_200 = arith.index_cast %mul3A_197 : i32 to index
      %get3A_201 = tpu.vector_load %arg4[%get3A_199, %get3A_200] {strides = array<i32>} : memref<2x16384xf32, #tpu.memory_space<vmem>>, vector<16xf32>,
      %mul3A_202 = arith.constant 2.550000e+02 : f32
      %mul3A_203 = vector.broadcast %mul3A_202 : f32 to vector<16xf32>
      %mul3A_204 = arith.mulf %get3A_201, %mul3A_203 : vector<16xf32>
      %mul3A_205 = arith.constant 1.00392163 : f32
      %mul3A_206 = vector.broadcast %mul3A_205 : f32 to vector<16xf32>
      %mul3A_207 = arith.mulf %mul3A_204, %mul3A_206 : vector<16xf32>
      %convert_element_type3A_208 = arith.fptosi %mul3A_207 : vector<16xf32> to vector<16xi32>
      %min3A_209 = arith.constant 255 : i32
      %min3A_210 = vector.broadcast %min3A_209 : i32 to vector<16xi32>
      %min3A_211 = arith.minsi %convert_element_type3A_208, %min3A_210 : vector<16xi32>
      %max3A_212 = arith.constant 0 : i32
      %max3A_213 = vector.broadcast %max3A_212 : i32 to vector<16xi32>
      %max3A_214 = arith.maxsi %min3A_211, %max3A_213 : vector<16xi32>
      %mul3A_215 = arith.constant 16 : i32
      %mul3A_216 = vector.broadcast %mul3A_215 : i32 to vector<16xi32>
      %mul3A_217 = arith.muli %max3A_214, %mul3A_216 : vector<16xi32>
      %add3A_218 = arith.addi %mul3A_217, %add3A_71 : vector<16xi32>
      tpu.vector_store_idx %arg5[%add3A_218], %broadcast_in_dim3A_3 {add = true} : memref<12288xf32, #tpu.memory_space<vmem>>[vector<16xi32>], vector<16xf32>,
      %mul3A_219 = arith.constant 8 : i32
      %mul3A_220 = arith.muli %scan3A_86, %mul3A_219 : i32
      %add3A_221 = arith.constant 5 : i32
      %add3A_222 = arith.addi %mul3A_220, %add3A_221 : i32
      %mul3A_223 = arith.constant 16 : i32
      %mul3A_224 = arith.muli %add3A_222, %mul3A_223 : i32
      %get3A_225 = arith.constant 1 : i32
      %get3A_226 = arith.index_cast %get3A_225 : i32 to index
      %get3A_227 = arith.index_cast %mul3A_224 : i32 to index
      %get3A_228 = tpu.vector_load %arg4[%get3A_226, %get3A_227] {strides = array<i32>} : memref<2x16384xf32, #tpu.memory_space<vmem>>, vector<16xf32>,
      %mul3A_229 = arith.constant 2.550000e+02 : f32
      %mul3A_230 = vector.broadcast %mul3A_229 : f32 to vector<16xf32>
      %mul3A_231 = arith.mulf %get3A_228, %mul3A_230 : vector<16xf32>
      %mul3A_232 = arith.constant 1.00392163 : f32
      %mul3A_233 = vector.broadcast %mul3A_232 : f32 to vector<16xf32>
      %mul3A_234 = arith.mulf %mul3A_231, %mul3A_233 : vector<16xf32>
      %convert_element_type3A_235 = arith.fptosi %mul3A_234 : vector<16xf32> to vector<16xi32>
      %min3A_236 = arith.constant 255 : i32
      %min3A_237 = vector.broadcast %min3A_236 : i32 to vector<16xi32>
      %min3A_238 = arith.minsi %convert_element_type3A_235, %min3A_237 : vector<16xi32>
      %max3A_239 = arith.constant 0 : i32
      %max3A_240 = vector.broadcast %max3A_239 : i32 to vector<16xi32>
      %max3A_241 = arith.maxsi %min3A_238, %max3A_240 : vector<16xi32>
      %mul3A_242 = arith.constant 16 : i32
      %mul3A_243 = vector.broadcast %mul3A_242 : i32 to vector<16xi32>
      %mul3A_244 = arith.muli %max3A_241, %mul3A_243 : vector<16xi32>
      %add3A_245 = arith.addi %mul3A_244, %add3A_71 : vector<16xi32>
      tpu.vector_store_idx %arg5[%add3A_245], %broadcast_in_dim3A_3 {add = true} : memref<12288xf32, #tpu.memory_space<vmem>>[vector<16xi32>], vector<16xf32>,
      %mul3A_246 = arith.constant 8 : i32
      %mul3A_247 = arith.muli %scan3A_86, %mul3A_246 : i32
      %add3A_248 = arith.constant 6 : i32
      %add3A_249 = arith.addi %mul3A_247, %add3A_248 : i32
      %mul3A_250 = arith.constant 16 : i32
      %mul3A_251 = arith.muli %add3A_249, %mul3A_250 : i32
      %get3A_252 = arith.constant 1 : i32
      %get3A_253 = arith.index_cast %get3A_252 : i32 to index
      %get3A_254 = arith.index_cast %mul3A_251 : i32 to index
      %get3A_255 = tpu.vector_load %arg4[%get3A_253, %get3A_254] {strides = array<i32>} : memref<2x16384xf32, #tpu.memory_space<vmem>>, vector<16xf32>,
      %mul3A_256 = arith.constant 2.550000e+02 : f32
      %mul3A_257 = vector.broadcast %mul3A_256 : f32 to vector<16xf32>
      %mul3A_258 = arith.mulf %get3A_255, %mul3A_257 : vector<16xf32>
      %mul3A_259 = arith.constant 1.00392163 : f32
      %mul3A_260 = vector.broadcast %mul3A_259 : f32 to vector<16xf32>
      %mul3A_261 = arith.mulf %mul3A_258, %mul3A_260 : vector<16xf32>
      %convert_element_type3A_262 = arith.fptosi %mul3A_261 : vector<16xf32> to vector<16xi32>
      %min3A_263 = arith.constant 255 : i32
      %min3A_264 = vector.broadcast %min3A_263 : i32 to vector<16xi32>
      %min3A_265 = arith.minsi %convert_element_type3A_262, %min3A_264 : vector<16xi32>
      %max3A_266 = arith.constant 0 : i32
      %max3A_267 = vector.broadcast %max3A_266 : i32 to vector<16xi32>
      %max3A_268 = arith.maxsi %min3A_265, %max3A_267 : vector<16xi32>
      %mul3A_269 = arith.constant 16 : i32
      %mul3A_270 = vector.broadcast %mul3A_269 : i32 to vector<16xi32>
      %mul3A_271 = arith.muli %max3A_268, %mul3A_270 : vector<16xi32>
      %add3A_272 = arith.addi %mul3A_271, %add3A_71 : vector<16xi32>
      tpu.vector_store_idx %arg5[%add3A_272], %broadcast_in_dim3A_3 {add = true} : memref<12288xf32, #tpu.memory_space<vmem>>[vector<16xi32>], vector<16xf32>,
      %mul3A_273 = arith.constant 8 : i32
      %mul3A_274 = arith.muli %scan3A_86, %mul3A_273 : i32
      %add3A_275 = arith.constant 7 : i32
      %add3A_276 = arith.addi %mul3A_274, %add3A_275 : i32
      %mul3A_277 = arith.constant 16 : i32
      %mul3A_278 = arith.muli %add3A_276, %mul3A_277 : i32
      %get3A_279 = arith.constant 1 : i32
      %get3A_280 = arith.index_cast %get3A_279 : i32 to index
      %get3A_281 = arith.index_cast %mul3A_278 : i32 to index
      %get3A_282 = tpu.vector_load %arg4[%get3A_280, %get3A_281] {strides = array<i32>} : memref<2x16384xf32, #tpu.memory_space<vmem>>, vector<16xf32>,
      %mul3A_283 = arith.constant 2.550000e+02 : f32
      %mul3A_284 = vector.broadcast %mul3A_283 : f32 to vector<16xf32>
      %mul3A_285 = arith.mulf %get3A_282, %mul3A_284 : vector<16xf32>
      %mul3A_286 = arith.constant 1.00392163 : f32
      %mul3A_287 = vector.broadcast %mul3A_286 : f32 to vector<16xf32>
      %mul3A_288 = arith.mulf %mul3A_285, %mul3A_287 : vector<16xf32>
      %convert_element_type3A_289 = arith.fptosi %mul3A_288 : vector<16xf32> to vector<16xi32>
      %min3A_290 = arith.constant 255 : i32
      %min3A_291 = vector.broadcast %min3A_290 : i32 to vector<16xi32>
      %min3A_292 = arith.minsi %convert_element_type3A_289, %min3A_291 : vector<16xi32>
      %max3A_293 = arith.constant 0 : i32
      %max3A_294 = vector.broadcast %max3A_293 : i32 to vector<16xi32>
      %max3A_295 = arith.maxsi %min3A_292, %max3A_294 : vector<16xi32>
      %mul3A_296 = arith.constant 16 : i32
      %mul3A_297 = vector.broadcast %mul3A_296 : i32 to vector<16xi32>
      %mul3A_298 = arith.muli %max3A_295, %mul3A_297 : vector<16xi32>
      %add3A_299 = arith.addi %mul3A_298, %add3A_71 : vector<16xi32>
      tpu.vector_store_idx %arg5[%add3A_299], %broadcast_in_dim3A_3 {add = true} : memref<12288xf32, #tpu.memory_space<vmem>>[vector<16xi32>], vector<16xf32>,
      %scan3A_300 = arith.constant 0 : i32
      scf.yield %scan3A_300 : i32
    }
    %scan3A_78 = arith.constant 128 : i32
    %scan3A_79 = arith.constant 0 : i32
    %scan3A_80 = arith.constant 0 : i32
    %scan3A_81 = arith.constant 48 : i32
    %scan3A_82 = arith.addi %scan3A_80, %scan3A_81 : i32
    %scan3A_83 = arith.constant 1 : i32
    %scan3A_84 = scf.for %scan3A_86 = %scan3A_80 to %scan3A_82 step %scan3A_83 iter_args(%scan3A_87 = %scan3A_79) -> (i32)  : i32 {
      %mul3A_88 = arith.constant 16 : i32
      %mul3A_89 = arith.muli %scan3A_86, %mul3A_88 : i32
      %mul3A_90 = arith.constant 16 : i32
      %mul3A_91 = arith.muli %mul3A_89, %mul3A_90 : i32
      %mul3A_92 = arith.constant 16 : i32
      %mul3A_93 = vector.broadcast %mul3A_92 : i32 to vector<16xi32>
      %mul3A_94 = arith.muli %iota3A, %mul3A_93 : vector<16xi32>
      %add3A_95 = vector.broadcast %mul3A_91 : i32 to vector<16xi32>
      %add3A_96 = arith.addi %add3A_95, %mul3A_94 : vector<16xi32>
      %gather3A = tpu.vector_load_idx %arg5[%add3A_96] : memref<12288xf32, #tpu.memory_space<vmem>>[vector<16xi32>], vector<16xf32>,
      %add3A_97 = arith.constant 1 : i32
      %add3A_98 = vector.broadcast %add3A_97 : i32 to vector<16xi32>
      %add3A_99 = arith.addi %add3A_96, %add3A_98 : vector<16xi32>
      %gather3A_100 = tpu.vector_load_idx %arg5[%add3A_99] : memref<12288xf32, #tpu.memory_space<vmem>>[vector<16xi32>], vector<16xf32>,
      %add3A_101 = arith.addf %gather3A, %gather3A_100 : vector<16xf32>
      %add3A_102 = arith.constant 2 : i32
      %add3A_103 = vector.broadcast %add3A_102 : i32 to vector<16xi32>
      %add3A_104 = arith.addi %add3A_96, %add3A_103 : vector<16xi32>
      %gather3A_105 = tpu.vector_load_idx %arg5[%add3A_104] : memref<12288xf32, #tpu.memory_space<vmem>>[vector<16xi32>], vector<16xf32>,
      %add3A_106 = arith.addf %add3A_101, %gather3A_105 : vector<16xf32>
      %add3A_107 = arith.constant 3 : i32
      %add3A_108 = vector.broadcast %add3A_107 : i32 to vector<16xi32>
      %add3A_109 = arith.addi %add3A_96, %add3A_108 : vector<16xi32>
      %gather3A_110 = tpu.vector_load_idx %arg5[%add3A_109] : memref<12288xf32, #tpu.memory_space<vmem>>[vector<16xi32>], vector<16xf32>,
      %add3A_111 = arith.addf %add3A_106, %gather3A_110 : vector<16xf32>
      %add3A_112 = arith.constant 4 : i32
      %add3A_113 = vector.broadcast %add3A_112 : i32 to vector<16xi32>
      %add3A_114 = arith.addi %add3A_96, %add3A_113 : vector<16xi32>
      %gather3A_115 = tpu.vector_load_idx %arg5[%add3A_114] : memref<12288xf32, #tpu.memory_space<vmem>>[vector<16xi32>], vector<16xf32>,
      %add3A_116 = arith.addf %add3A_111, %gather3A_115 : vector<16xf32>
      %add3A_117 = arith.constant 5 : i32
      %add3A_118 = vector.broadcast %add3A_117 : i32 to vector<16xi32>
      %add3A_119 = arith.addi %add3A_96, %add3A_118 : vector<16xi32>
      %gather3A_120 = tpu.vector_load_idx %arg5[%add3A_119] : memref<12288xf32, #tpu.memory_space<vmem>>[vector<16xi32>], vector<16xf32>,
      %add3A_121 = arith.addf %add3A_116, %gather3A_120 : vector<16xf32>
      %add3A_122 = arith.constant 6 : i32
      %add3A_123 = vector.broadcast %add3A_122 : i32 to vector<16xi32>
      %add3A_124 = arith.addi %add3A_96, %add3A_123 : vector<16xi32>
      %gather3A_125 = tpu.vector_load_idx %arg5[%add3A_124] : memref<12288xf32, #tpu.memory_space<vmem>>[vector<16xi32>], vector<16xf32>,
      %add3A_126 = arith.addf %add3A_121, %gather3A_125 : vector<16xf32>
      %add3A_127 = arith.constant 7 : i32
      %add3A_128 = vector.broadcast %add3A_127 : i32 to vector<16xi32>
      %add3A_129 = arith.addi %add3A_96, %add3A_128 : vector<16xi32>
      %gather3A_130 = tpu.vector_load_idx %arg5[%add3A_129] : memref<12288xf32, #tpu.memory_space<vmem>>[vector<16xi32>], vector<16xf32>,
      %add3A_131 = arith.addf %add3A_126, %gather3A_130 : vector<16xf32>
      %add3A_132 = arith.constant 8 : i32
      %add3A_133 = vector.broadcast %add3A_132 : i32 to vector<16xi32>
      %add3A_134 = arith.addi %add3A_96, %add3A_133 : vector<16xi32>
      %gather3A_135 = tpu.vector_load_idx %arg5[%add3A_134] : memref<12288xf32, #tpu.memory_space<vmem>>[vector<16xi32>], vector<16xf32>,
      %add3A_136 = arith.addf %add3A_131, %gather3A_135 : vector<16xf32>
      %add3A_137 = arith.constant 9 : i32
      %add3A_138 = vector.broadcast %add3A_137 : i32 to vector<16xi32>
      %add3A_139 = arith.addi %add3A_96, %add3A_138 : vector<16xi32>
      %gather3A_140 = tpu.vector_load_idx %arg5[%add3A_139] : memref<12288xf32, #tpu.memory_space<vmem>>[vector<16xi32>], vector<16xf32>,
      %add3A_141 = arith.addf %add3A_136, %gather3A_140 : vector<16xf32>
      %add3A_142 = arith.constant 10 : i32
      %add3A_143 = vector.broadcast %add3A_142 : i32 to vector<16xi32>
      %add3A_144 = arith.addi %add3A_96, %add3A_143 : vector<16xi32>
      %gather3A_145 = tpu.vector_load_idx %arg5[%add3A_144] : memref<12288xf32, #tpu.memory_space<vmem>>[vector<16xi32>], vector<16xf32>,
      %add3A_146 = arith.addf %add3A_141, %gather3A_145 : vector<16xf32>
      %add3A_147 = arith.constant 11 : i32
      %add3A_148 = vector.broadcast %add3A_147 : i32 to vector<16xi32>
      %add3A_149 = arith.addi %add3A_96, %add3A_148 : vector<16xi32>
      %gather3A_150 = tpu.vector_load_idx %arg5[%add3A_149] : memref<12288xf32, #tpu.memory_space<vmem>>[vector<16xi32>], vector<16xf32>,
      %add3A_151 = arith.addf %add3A_146, %gather3A_150 : vector<16xf32>
      %add3A_152 = arith.constant 12 : i32
      %add3A_153 = vector.broadcast %add3A_152 : i32 to vector<16xi32>
      %add3A_154 = arith.addi %add3A_96, %add3A_153 : vector<16xi32>
      %gather3A_155 = tpu.vector_load_idx %arg5[%add3A_154] : memref<12288xf32, #tpu.memory_space<vmem>>[vector<16xi32>], vector<16xf32>,
      %add3A_156 = arith.addf %add3A_151, %gather3A_155 : vector<16xf32>
      %add3A_157 = arith.constant 13 : i32
      %add3A_158 = vector.broadcast %add3A_157 : i32 to vector<16xi32>
      %add3A_159 = arith.addi %add3A_96, %add3A_158 : vector<16xi32>
      %gather3A_160 = tpu.vector_load_idx %arg5[%add3A_159] : memref<12288xf32, #tpu.memory_space<vmem>>[vector<16xi32>], vector<16xf32>,
      %add3A_161 = arith.addf %add3A_156, %gather3A_160 : vector<16xf32>
      %add3A_162 = arith.constant 14 : i32
      %add3A_163 = vector.broadcast %add3A_162 : i32 to vector<16xi32>
      %add3A_164 = arith.addi %add3A_96, %add3A_163 : vector<16xi32>
      %gather3A_165 = tpu.vector_load_idx %arg5[%add3A_164] : memref<12288xf32, #tpu.memory_space<vmem>>[vector<16xi32>], vector<16xf32>,
      %add3A_166 = arith.addf %add3A_161, %gather3A_165 : vector<16xf32>
      %add3A_167 = arith.constant 15 : i32
      %add3A_168 = vector.broadcast %add3A_167 : i32 to vector<16xi32>
      %add3A_169 = arith.addi %add3A_96, %add3A_168 : vector<16xi32>
      %gather3A_170 = tpu.vector_load_idx %arg5[%add3A_169] : memref<12288xf32, #tpu.memory_space<vmem>>[vector<16xi32>], vector<16xf32>,
      %add3A_171 = arith.addf %add3A_166, %gather3A_170 : vector<16xf32>
      %mul3A_172 = arith.constant 16 : i32
      %mul3A_173 = arith.muli %scan3A_86, %mul3A_172 : i32
      %swap3A = arith.index_cast %mul3A_173 : i32 to index
      %swap3A_174 = tpu.vector_load %arg6[%swap3A] {strides = array<i32>} : memref<768xf32, #tpu.memory_space<vmem>>, vector<16xf32>,
      tpu.vector_store %arg6[%swap3A], %add3A_171 {strides = array<i32>} : memref<768xf32, #tpu.memory_space<vmem>>, vector<16xf32>,
      %scan3A_175 = arith.constant 0 : i32
      scf.yield %scan3A_175 : i32
    }
    %scan3A_85 = arith.constant 48 : i32
    "tpu.region"() ({
      %run_scoped3A = tpu.sem_alloc : memref<!tpu.dma_semaphore, #tpu.memory_space<semaphore_mem>>
      %dma_start3A_86 = arith.constant 0 : i32
      %dma_start3A_87 = tpu.memref_slice %arg3[%add3A, %dma_start3A_86] : memref<32x768xf32, #tpu.memory_space<hbm>> -> memref<1x768xf32, #tpu.memory_space<hbm>>
      %dma_start3A_88 = tpu.memref_squeeze %dma_start3A_87 : memref<1x768xf32, #tpu.memory_space<hbm>> -> memref<768xf32, #tpu.memory_space<hbm>>
      %dma_start3A_89 = arith.constant 0 : i32
      %dma_start3A_90 = tpu.memref_slice %arg3[%add3A, %dma_start3A_89] : memref<32x768xf32, #tpu.memory_space<hbm>> -> memref<1x768xf32, #tpu.memory_space<hbm>>
      %dma_start3A_91 = tpu.memref_squeeze %dma_start3A_90 : memref<1x768xf32, #tpu.memory_space<hbm>> -> memref<768xf32, #tpu.memory_space<hbm>>
      tpu.enqueue_dma source(%arg6 : memref<768xf32, #tpu.memory_space<vmem>>) target(%dma_start3A_91 : memref<768xf32, #tpu.memory_space<hbm>>) target_semaphore(%run_scoped3A : memref<!tpu.dma_semaphore, #tpu.memory_space<semaphore_mem>>)
      %dma_wait3A_92 = arith.constant 0 : i32
      %dma_wait3A_93 = tpu.memref_slice %arg3[%add3A, %dma_wait3A_92] : memref<32x768xf32, #tpu.memory_space<hbm>> -> memref<1x768xf32, #tpu.memory_space<hbm>>
      %dma_wait3A_94 = tpu.memref_squeeze %dma_wait3A_93 : memref<1x768xf32, #tpu.memory_space<hbm>> -> memref<768xf32, #tpu.memory_space<hbm>>
      %dma_wait3A_95 = arith.constant 0 : i32
      %dma_wait3A_96 = tpu.memref_slice %arg3[%add3A, %dma_wait3A_95] : memref<32x768xf32, #tpu.memory_space<hbm>> -> memref<1x768xf32, #tpu.memory_space<hbm>>
      %dma_wait3A_97 = tpu.memref_squeeze %dma_wait3A_96 : memref<1x768xf32, #tpu.memory_space<hbm>> -> memref<768xf32, #tpu.memory_space<hbm>>
      tpu.wait_dma2 semaphore(%run_scoped3A : memref<!tpu.dma_semaphore, #tpu.memory_space<semaphore_mem>>) src(%arg6 : memref<768xf32, #tpu.memory_space<vmem>>) dst(%dma_wait3A_97 : memref<768xf32, #tpu.memory_space<hbm>>)
      tpu.yield
    }) : () -> ()
    return
  }
}

</mosaic_0001>

<sc_bundles>
// kernel: _sc_partials.3.cloned.1.call-start
scs
__scs_entry_jumppad:
0x0: {  	(pc) =	sbr.rel $0x88, $3  }
0x1: {  	(tag) =	ssettag $0x0;
	lr =	simm.s32 $0x1  }
0x2: {  	[smem:$0x3FA0] =	sst lr;
	_ =	strace $0xD0000000  }
0x3: {  	_ = 	snop  }
0x4: {  	_ = 	snop  }
0x5: {  	_ = 	snop  }
0x6: {  	_ = 	snop  }
0x7: {  	_ = 	snop  }
__scs_overlays_trampoline_lowered:
0x8: {  	[smem:$0x3FAF] =	sst s0  }
0x9: {  	[smem:$0x3FB0] =	sst s1  }
0xa: {  	[smem:$0x3FB1] =	sst s2  }
0xb: {  	[smem:$0x3FB2] =	sst s3  }
0xc: {  	[smem:$0x3FB3] =	sst s4  }
0xd: {  	[smem:$0x3FB4] =	sst s5  }
0xe: {  	[smem:$0x3FB5] =	sst s6  }
0xf: {  	[smem:$0x3FB6] =	sst s7  }
0x10: {  	[smem:$0x3FB7] =	sst s8  }
0x11: {  	[smem:$0x3FB8] =	sst s9;
	s0 =	simm.s32 @!p0 $0x0  }
0x12: {  	s1 =	sld [smem:$0x3F9E];
	s0 =	simm.s32 @p0 $0x1  }
0x13: {  	[smem:$0x3FB9] =	sst s0;
	s0 =	simm.s32 @!p1 $0x0  }
0x14: {  	s2 =	sld [smem:$0x3F9D];
	s0 =	simm.s32 @p1 $0x1  }
0x15: {  	[smem:$0x3FBA] =	sst s0;
	s0 =	simm.s32 @!p2 $0x0  }
0x16: {  	s3 =	sld [smem:$0x3FDB];
	s0 =	simm.s32 @p2 $0x1  }
0x17: {  	s4 =	simm.s32 $0x1BF5;
	[smem:$0x3FBC] =	sst s0  }
0x18: {  	s0 =	sld [smem:$0x3F9F];
	_ =	swait.ge [sflag:s4], $0x0  }
0x19: {  	s7 =	sld [smem:$0x3FA0]  }
0x1a: {  	s8 =	sadd.s32 $0xFFFFE003, lr  }
0x1b: {  	s9 =	sadd.s32 $0xFFFFFEF7, lr;
	s5 =	simm.s32 $0xFFFFFFFF;
	p2 =	slt.u32 s8, $0xFFFFF086  }
0x1c: {  	p1 =	slt.u32 s9, $0xF7A;
	s5 =	simm.s32 @!p2 $0x0  }
0x1d: {  	s5 =	simm.s32 @p1 $0x1;
	p0 =	seq.s32 s7, s2  }
0x1e: {  	s7 =	smul.u32 @!p0 $0xF7A, s2;
	p2 =	seq.s32 @!p0 s5, $0x0  }
0x1f: {  	s9 =	smul.u32 $0xF7A, s1;
	s8 =	simm.s32 @!p0 $0x1BF5;
	p2 =	por !p2, p0  }
0x20: {  	[sflag:s8] =	ssyncset.s32 @!p0 $0xFFFFF086;
	s6 =	sadd.s32 @!p0 s3, s7;
	s7 =	simm.s32 @!p0 $0x108  }
0x21: {  	s3 =	sadd.s32 s3, s9;
	s6 =	sadd.s32 @!p0 $0x88, s6;
	s7 =	simm.s32 @p2 $0x1082  }
0x22: {  	[simem:s7], [sflag:s8] =	dma.local @!p0 [hbm:s6], $0xF7A  }
0x23: {  	s9 =	sor.u32 $0xD0000000, s2;
	s6 =	simm.s32 $0x108;
	_ =	swait.ge @!p0 [sflag:s8], $0x0  }
0x24: {  	s3 =	sadd.s32 $0x88, s3;
	s6 =	simm.s32 @!p1 $0x1082;
	[sflag:s4] =	ssyncset.s32 $0xFFFFF086  }
0x25: {  	[simem:s6], [sflag:s4] =	dma.local [hbm:s3], $0xF7A  }
0x26: {  	[smem:$0x3FA0] =	sst s1;
	(tag) =	ssettag s2;
	_ =	strace s9  }
0x27: {  	s1 =	sld [smem:$0x3FB0]  }
0x28: {  	s2 =	sld [smem:$0x3FB1]  }
0x29: {  	s4 =	sld [smem:$0x3FB3]  }
0x2a: {  	p0 =	seq.s32 s5, $0x0;
	s5 =	sld [smem:$0x3FB4]  }
0x2b: {  	s6 =	sld [smem:$0x3FB5]  }
0x2c: {  	s7 =	sld [smem:$0x3FB6]  }
0x2d: {  	s3 =	simm.s32 $0x108;
	s8 =	sld [smem:$0x3FB7]  }
0x2e: {  	s3 =	simm.s32 @!p0 $0x1082;
	s9 =	sld [smem:$0x3FB8]  }
0x2f: {  	lr =	sadd.s32 s0, s3;
	s0 =	sld [smem:$0x3FAF]  }
0x30: {  	s3 =	sld [smem:$0x3FB2]  }
0x31: {  	[smem:$0x3FBB] =	sst s10  }
0x32: {  	s10 =	sld [smem:$0x3FB9];
	_ =	sdelay $0x3  }
0x33: {  	p0 =	seq.s32 s10, $0x1;
	s10 =	sld [smem:$0x3FBB];
	_ =	sdelay $0x3  }
0x34: {  	[smem:$0x3FBB] =	sst s10  }
0x35: {  	s10 =	sld [smem:$0x3FBA];
	_ =	sdelay $0x3  }
0x36: {  	p1 =	seq.s32 s10, $0x1;
	s10 =	sld [smem:$0x3FBB];
	_ =	sdelay $0x3  }
0x37: {  	[smem:$0x3FBB] =	sst s10  }
0x38: {  	s10 =	sld [smem:$0x3FBC]  }
0x39: {  	_ = 	snop;
	(pc) =	sbr.ind lr, $3  }
0x3a: {  	_ = 	snop  }
0x3b: {  	_ = 	snop  }
0x3c: {  	p2 =	seq.s32 s10, $0x1;
	s10 =	sld [smem:$0x3FBB]  }
0x3d: {  	_ =	shalt  }
0x3e: {  	_ =	shalt  }
0x3f: {  	_ =	shalt  }
0x40: {  	_ =	shalt  }
0x41: {  	_ =	shalt  }
0x42: {  	_ =	shalt  }
0x43: {  	_ =	shalt  }
0x44: {  	_ =	shalt  }
0x45: {  	_ =	shalt  }
0x46: {  	_ =	shalt  }
0x47: {  	_ =	shalt  }
0x48: {  	_ =	shalt  }
0x49: {  	_ =	shalt  }
0x4a: {  	_ =	shalt  }
0x4b: {  	_ =	shalt  }
0x4c: {  	_ =	shalt  }
0x4d: {  	_ =	shalt  }
0x4e: {  	_ =	shalt  }
0x4f: {  	_ =	shalt  }
0x50: {  	_ =	shalt  }
0x51: {  	_ =	shalt  }
0x52: {  	_ =	shalt  }
0x53: {  	_ =	shalt  }
0x54: {  	_ =	shalt  }
0x55: {  	_ =	shalt  }
0x56: {  	_ =	shalt  }
0x57: {  	_ =	shalt  }
0x58: {  	_ =	shalt  }
0x59: {  	_ =	shalt  }
0x5a: {  	_ =	shalt  }
0x5b: {  	_ =	shalt  }
0x5c: {  	_ =	shalt  }
0x5d: {  	_ =	shalt  }
0x5e: {  	_ =	shalt  }
0x5f: {  	_ =	shalt  }
0x60: {  	_ =	shalt  }
0x61: {  	_ =	shalt  }
0x62: {  	_ =	shalt  }
0x63: {  	_ =	shalt  }
0x64: {  	_ =	shalt  }
0x65: {  	_ =	shalt  }
0x66: {  	_ =	shalt  }
0x67: {  	_ =	shalt  }
0x68: {  	_ =	shalt  }
0x69: {  	_ =	shalt  }
0x6a: {  	_ =	shalt  }
0x6b: {  	_ =	shalt  }
0x6c: {  	_ =	shalt  }
0x6d: {  	_ =	shalt  }
0x6e: {  	_ =	shalt  }
0x6f: {  	_ =	shalt  }
0x70: {  	_ =	shalt  }
0x71: {  	_ =	shalt  }
0x72: {  	_ =	shalt  }
0x73: {  	_ =	shalt  }
0x74: {  	_ =	shalt  }
0x75: {  	_ =	shalt  }
0x76: {  	_ =	shalt  }
0x77: {  	_ =	shalt  }
0x78: {  	_ =	shalt  }
0x79: {  	_ =	shalt  }
0x7a: {  	_ =	shalt  }
0x7b: {  	_ =	shalt  }
0x7c: {  	_ =	shalt  }
0x7d: {  	_ =	shalt  }
0x7e: {  	_ =	shalt  }
0x7f: {  	_ =	shalt  }
0x80: {  	_ =	shalt  }
0x81: {  	_ =	shalt  }
0x82: {  	_ =	shalt  }
0x83: {  	_ =	shalt  }
0x84: {  	_ =	shalt  }
0x85: {  	_ =	shalt  }
0x86: {  	_ =	shalt  }
0x87: {  	_ =	shalt  }
.Lfunc_end0:
.L_simem_size_0:
called_computation_lowered:
.L_overlay_start_0:
0x88: {  	s2 =	sld [smem:$0x3FD9]  }
0x89: {  	s3 =	sld [smem:$0x3FFE];
	_ =	sdelay $0x1  }
0x8a: {  	s1 =	srdreg.scid  }
0x8b: {  	s0 =	sand.u32 $0x1, s1  }
0x8c: {  	s18 =	sshll.u32 s0, $0xA;
	s2 =	sadd.s32 s3, s2  }
0x8d: {  	s2 =	sadd.s32 s2, s18  }
0x8e: {  	[smem:$0x3FC7] =	sst s2  }
0x8f: {  	_ = 	snop  }
0x90: {  	s2 =	sld [smem:$0x3FC9]  }
0x91: {  	s19 =	sld [smem:$0x3FD0];
	(tm) =	ssettm $0x1  }
0x92: {  	s4 =	sld [smem:$0x3FFB];
	_ =	sdelay $0x3  }
0x93: {  	_ =	strace s4  }
0x94: {  	s4 =	sld [smem:$0x3FFC];
	_ =	sdelay $0x3  }
0x95: {  	_ =	strace s4  }
0x96: {  	s4 =	sld [smem:$0x3FFD];
	_ =	sdelay $0x3  }
0x97: {  	_ =	strace s4  }
0x98: {  	_ =	strace $0x8FFFFFFF  }
0x99: {  	s20 =	sld [smem:$0x3FDB];
	_ =	sdelay $0x1  }
0x9a: {  	s5 =	simm.s32 $_scs_section_size  }
0x9b: {  	s6 =	simm.s32 $_size__tile_overlayer_lowered;
	s7 =	simm.s32 $_tile_overlayer_lowered  }
0x9c: {  	s23 =	simm.s32 $0x1BFF;
	s22 =	sshll.u32 s7, $0x1;
	s4 =	sadd.s32 s5, s20  }
0x9d: {  	s8 =	simm.s32 $0x0;
	s21 =	sshll.u32 s6, $0x1;
	s6 =	sadd.s32 s22, s4  }
0x9e: {  	[timem:s8], [sflag:s23] =	dma.local [hbm:s6], s21  }
0x9f: {  	_ =	swait.ge [sflag:s23], s21  }
0xa0: {  	s5 =	ssub.s32 $0x0, s21;
	[sflag:s23] =	ssyncset.done $0x0  }
0xa1: {  	[sflag:s23] =	ssyncadd.s32 s5;
	_ =	sdelay $0x1  }
0xa2: {  	s24 =	simm.s32 $0x1B8B  }
0xa3: {  	_ =	swait.ge [sflag:s24], $0x1  }
0xa4: {  	[sflag:s24] =	ssyncset.done $0x0  }
0xa5: {  	s25 =	simm.s32 $0x1B8E;
	[sflag:s24] =	ssyncadd.s32 $0xFFFFFFFF  }
0xa6: {  	s26 =	simm.s32 $execute0_lowered;
	[smem:$0x3FD2] =	sst s25  }
0xa7: {  	s5 =	sshll.u32 s26, $0x1;
	_ =	strace $0x80000046;
	[dreg:$0x1] =	wrdreg $0xFFFFFFFF  }
0xa8: {  	s28 =	simm.s32 $_size_execute0_lowered;
	s4 =	sadd.s32 s4, s5;
	[dreg:$0x0] =	wrdreg $0x0  }
0xa9: {  	s5 =	sshll.u32 s28, $0x1;
	[dreg:$0x2] =	wrdreg s4  }
0xaa: {  	[dreg:$0x3] =	wrdreg s5  }
0xab: {  	[dreg:$0x4] =	wrdreg $0xC0  }
0xac: {  	_ =	task [dreg:s8], $0x5FFFF  }
0xad: {  	[dreg:$0x1] =	wrdreg $0xFFFFFFFF  }
0xae: {  	[dreg:$0x0] =	wrdreg $0x60  }
0xaf: {  	[dreg:$0x2] =	wrdreg s2  }
0xb0: {  	[dreg:$0x3] =	wrdreg s19  }
0xb1: {  	[dreg:$0x4] =	wrdreg $0x9  }
0xb2: {  	_ =	task.clear_ibuf [dreg:s8], $0x5FFFF;
	_ =	strace $0x90000046  }
0xb3: {  	s29 =	simm.s32 $0x9;
	_ =	strace $0x80000048  }
0xb4: {  	_ =	swait.ge [sflag:s29], $0x1  }
0xb5: {  	[sflag:s29] =	ssyncadd.s32 $0xFFFFFFFF  }
0xb6: {  	_ =	strace $0x90000048  }
0xb7: {  	_ =	sfence  }
0xb8: {  	s30 =	sld [smem:$0x0];
	_ =	sdelay $0x2  }
0xb9: {  	s31 =	sshll.u32 s1, $0xD;
	s1 =	sshrl.u32 s1, $0x2  }
0xba: {  	s3 =	sand.u32 $0x4000, s31;
	s1 =	sadd.s32 s1, s30  }
0xbb: {  	s0 =	sor.u32 s3, s0;
	s1 =	sshll.u32 s1, $0x11  }
0xbc: {  	s0 =	sor.u32 s1, s0  }
0xbd: {  	s0 =	sadd.s32 $0x8F2B, s0  }
0xbe: {  	[sflag:s0] =	ssyncadd.remote.s32 $0x1  }
0xbf: {  	_ =	sfence.sel $0xFFFF  }
0xc0: {  	[dreg:$0x0] =	wrdreg $0xFFFFFFFF;
	(pc) =	sbr.abs _section_cstart, $3  }
0xc1: {  	[dreg:$0x1] =	wrdreg $0xFFFFFFFF  }
0xc2: {  	_ =	task.clear_ibuf [dreg:s8], $0x2FFFF;
	_ =	strace $0x9FFFFFFF  }
0xc3: {  	(tm) =	ssettm $0x7FFFFFFF  }
tec
execute0_lowered:
.L_overlay_start_1:
0x0: {  	(tag) =	ssettag $0x1  }
0x1: {  	s2 =	rddreg [dreg:$0x0]  }
0x2: {  	s1 =	srdreg.scid;
	s0 =	stileid.u32  }
0x3: {  	s8 =	rddreg [dreg:$0x1];
	s3 =	simm.s32 $0x0;
	s11 =	simm.s32 $0x8000  }
0x4: {  	s12 =	simm.s32 $0x2;
	s13 =	simm.s32 $0x80;
	s14 =	simm.s32 $0x400  }
0x5: {  	v0 =	vlaneseq.u32;
	s15 =	simm.s32 $0xB000;
	s16 =	simm.s32 $0x3;
	s17 =	simm.s32 $0x0  }
0x6: {  	s4 =	sand.u32 $0x1, s1;
	s5 =	sshll.u32 s0, $0x1;
	s1 =	rddreg [dreg:$0x2];
	v2 =	vmul.u32 $0x10, v0  }
0x7: {  	v3 =	vimm.f32 $1.000000000e+00;
	[smem:$0x7FF] =	sst s3;
	s6 =	sshrl.u32 s0, $0x2;
	v1 =	vand.u32 $0x7, v0;
	v4 =	vor.u32 $0x2000, v0;
	s5 =	sor.u32 s4, s5  }
0x8: {  	_ =	strace $0x80000047;
	s6 =	smul.u32 $0x1800, s6;
	v5 =	vmul.u32 $0x10, v1;
	s9 =	ssub.s32 $0x2, s4;
	v1 =	vimm.f32 $0.0e+00;
	v6 =	vor.u32 $0x1, v2  }
0x9: {  	s7 =	smul.u32 $0xC0000, s5;
	s5 =	sshll.u32 s5, $0x7;
	s10 =	sshrl.u32 s9, $0x1;
	v7 =	vor.u32 $0x2, v2;
	v8 =	vor.u32 $0x3, v2;
	v9 =	vor.u32 $0x4, v2  }
0xa: {  	v10 =	vor.u32 $0x5, v2;
	v11 =	vor.u32 $0x6, v2;
	v12 =	vor.u32 $0x7, v2;
	s5 =	sand.u32 $0x380, s5;
	s9 =	ssub.s32 s9, s10;
	s10 =	simm.s32 $0x1  }
0xb: {  	v13 =	vor.u32 $0x8, v2;
	v14 =	vor.u32 $0x9, v2;
	v15 =	vor.u32 $0xA, v2;
	s30 =	sshrl.u32 s7, $0x3;
	s6 =	sor.u32 s6, s5;
	s9 =	smax.u32 s9, $0x1  }
0xc: {  	v16 =	vor.u32 $0xB, v2;
	v17 =	vor.u32 $0xC, v2;
	v18 =	vor.u32 $0xD, v2;
	s4 =	sadd.s32 s2, s30;
	s31 =	sshrl.u32 s6, $0x3;
	s6 =	sor.u32 $0x8000, s7  }
0xd: {  	v19 =	vor.u32 $0xE, v2;
	v20 =	vor.u32 $0xF, v2;
	v5 =	vor.u32 $0xFFFFFF80, v5;
	s7 =	sor.u32 $0xC000, s7;
	s5 =	sadd.s32 $0x800, s4;
	s8 =	sadd.s32 s8, s31  }
.LBB2_1:
0xe: {  	s18 =	simm.s32 $0x0;
	s19 =	simm.s32 $0x200  }
.LBB2_2:
0xf: {  	p0 =	sne.s32 s19, $0xBE00;
	[tilespmem:s18+$0x8070] =	vst v1  }
0x10: {  	[tilespmem:s18+$0x8000] =	vst v1  }
0x11: {  	[tilespmem:s18+$0x8010] =	vst v1  }
.Ltmp0:
0x12: {  	[tilespmem:s18+$0x8020] =	vst v1;
	(pc) =	sbr.rel @p0 .LBB2_2-.Ltmp0, $4  }
0x13: {  	[tilespmem:s18+$0x8030] =	vst v1  }
0x14: {  	[tilespmem:s18+$0x8040] =	vst v1  }
0x15: {  	[tilespmem:s18+$0x8050] =	vst v1  }
0x16: {  	[tilespmem:s18+$0x8060] =	vst v1;
	s18 =	sshra.s32 s19, $0x2;
	s19 =	sadd.s32 $0x200, s19  }
0x17: {  	[tilespmem:s18+$0x8070] =	vst v1  }
0x18: {  	[tilespmem:s18+$0x8000] =	vst v1  }
0x19: {  	[tilespmem:s18+$0x8010] =	vst v1  }
0x1a: {  	[tilespmem:s18+$0x8020] =	vst v1  }
0x1b: {  	[tilespmem:s18+$0x8030] =	vst v1  }
0x1c: {  	[tilespmem:s18+$0x8040] =	vst v1  }
0x1d: {  	[tilespmem:s18+$0x8050] =	vst v1;
	s19 =	simm.s32 $0x0  }
0x1e: {  	[tilespmem:s18+$0x8060] =	vst v1;
	s18 =	simm.s32 $0x10;
	s21 =	sadd.s32 $0x0, s4;
	s20 =	simm.s32 $0x100  }
.LBB2_4:
0x1f: {  	[tilespmem:s19], [sflag:$0x1] =	stream.linear.gather [hbm4b:s21+s3], $0x80, $0x38;
	[tilespmem:$0xB300] =	vst v63  }
0x20: {  	s21 =	smov.u32 s18;
	s19 =	smov.u32 s20;
	p0 =	sne.s32 s18, $0x7F0  }
.Ltmp1:
0x21: {  	s18 =	sadd.s32 $0x10, s18;
	(pc) =	sbr.rel @p0 .LBB2_4-.Ltmp1, $2  }
0x22: {  	_ =	sdelay $0x2  }
0x23: {  	s20 =	sadd.s32 $0x100, s20;
	s21 =	sadd.s32 s21, s4  }
0x24: {  	[tilespmem:s19], [sflag:$0x1] =	stream.linear.gather [hbm4b:s21+s3], $0x80, $0x38;
	[tilespmem:$0xB300] =	vst v63  }
0x25: {  	s18 =	simm.s32 $0x0;
	s19 =	simm.s32 $0x80  }
0x26: {  	s20 =	simm.s32 $0x10;
	s22 =	sadd.s32 $0x0, s5;
	s21 =	simm.s32 $0x180  }
.LBB2_6:
0x27: {  	[tilespmem:s19], [sflag:$0x2] =	stream.linear.gather [hbm4b:s22+s18], $0x80, $0x38;
	[tilespmem:$0xB300] =	vst v63  }
0x28: {  	s22 =	smov.u32 s20;
	s19 =	smov.u32 s21;
	p0 =	sne.s32 s20, $0x7F0  }
.Ltmp2:
0x29: {  	s20 =	sadd.s32 $0x10, s20;
	(pc) =	sbr.rel @p0 .LBB2_6-.Ltmp2, $2  }
0x2a: {  	_ =	sdelay $0x2  }
0x2b: {  	s21 =	sadd.s32 $0x100, s21;
	s22 =	sadd.s32 s22, s5  }
0x2c: {  	[tilespmem:s19], [sflag:$0x2] =	stream.linear.gather [hbm4b:s22+s18], $0x80, $0x38;
	[tilespmem:$0xB300] =	vst v63  }
.LBB2_8:
0x2d: {  	_ =	swait.ge [sflag:s10], $0x4000;
	s19 =	sshll.u32 s18, $0x9  }
0x2e: {  	[sflag:s10] =	ssyncset.done $0x0;
	s19 =	sand.u32 $0x3000, s19  }
0x2f: {  	[sflag:s10] =	ssyncadd.s32 $0xFFFFC000;
	v21 =	vor.u32 s19, v0;
	s19 =	simm.s32 $0x0  }
.LBB2_9:
0x30: {  	s20 =	sshra.s32 s19, $0x2  }
0x31: {  	v22 =	vld [tilespmem:s20+$0x0];
	_ =	sdelay $0x4  }
0x32: {  	v22 =	vmul.f32 $2.550000000e+02, v22;
	_ =	sdelay $0x1  }
0x33: {  	v22 =	vmul.f32 $1.003921630e+00, v22;
	_ =	sdelay $0x1  }
0x34: {  	v22 =	vtrunc.f32 v22  }
0x35: {  	v22 =	vcvt.f32.s32 v22;
	_ =	sdelay $0x1  }
0x36: {  	vm0 =	vgt.s32 v22, $0x0  }
0x37: {  	v22 =	vnsel vm0, $0x0, v22  }
0x38: {  	v22 =	vmin.u32 v22, $0xFF  }
0x39: {  	v22 =	vshll.u32 v22, $0x4  }
0x3a: {  	v22 =	vor.u32 v21, v22;
	_ =	sdelay $0x4  }
0x3b: {  	[tilespmem:v22+s11+$0x0] =	vst.idx.add.f32.msk $0xffff, v3  }
0x3c: {  	v22 =	vld [tilespmem:s20+$0x10];
	_ =	sdelay $0x4  }
0x3d: {  	v22 =	vmul.f32 $2.550000000e+02, v22;
	_ =	sdelay $0x1  }
0x3e: {  	v22 =	vmul.f32 $1.003921630e+00, v22;
	_ =	sdelay $0x1  }
0x3f: {  	v22 =	vtrunc.f32 v22  }
0x40: {  	v22 =	vcvt.f32.s32 v22;
	_ =	sdelay $0x1  }
0x41: {  	vm9 =	vgt.s32 v22, $0x0  }
0x42: {  	v22 =	vnsel vm9, $0x0, v22  }
0x43: {  	v22 =	vmin.u32 v22, $0xFF  }
0x44: {  	v22 =	vshll.u32 v22, $0x4  }
0x45: {  	v22 =	vor.u32 v21, v22;
	_ =	sdelay $0x4  }
0x46: {  	[tilespmem:v22+s11+$0x0] =	vst.idx.add.f32.msk $0xffff, v3  }
0x47: {  	v22 =	vld [tilespmem:s20+$0x20];
	_ =	sdelay $0x4  }
0x48: {  	v22 =	vmul.f32 $2.550000000e+02, v22;
	_ =	sdelay $0x1  }
0x49: {  	v22 =	vmul.f32 $1.003921630e+00, v22;
	_ =	sdelay $0x1  }
0x4a: {  	v22 =	vtrunc.f32 v22  }
0x4b: {  	v22 =	vcvt.f32.s32 v22;
	_ =	sdelay $0x1  }
0x4c: {  	vm10 =	vgt.s32 v22, $0x0  }
0x4d: {  	v22 =	vnsel vm10, $0x0, v22  }
0x4e: {  	v22 =	vmin.u32 v22, $0xFF  }
0x4f: {  	v22 =	vshll.u32 v22, $0x4  }
0x50: {  	v22 =	vor.u32 v21, v22;
	_ =	sdelay $0x4  }
0x51: {  	[tilespmem:v22+s11+$0x0] =	vst.idx.add.f32.msk $0xffff, v3  }
0x52: {  	v22 =	vld [tilespmem:s20+$0x30];
	_ =	sdelay $0x4  }
0x53: {  	v22 =	vmul.f32 $2.550000000e+02, v22;
	_ =	sdelay $0x1  }
0x54: {  	v22 =	vmul.f32 $1.003921630e+00, v22;
	_ =	sdelay $0x1  }
0x55: {  	v22 =	vtrunc.f32 v22  }
0x56: {  	v22 =	vcvt.f32.s32 v22;
	_ =	sdelay $0x1  }
0x57: {  	vm11 =	vgt.s32 v22, $0x0  }
0x58: {  	v22 =	vnsel vm11, $0x0, v22  }
0x59: {  	v22 =	vmin.u32 v22, $0xFF  }
0x5a: {  	v22 =	vshll.u32 v22, $0x4  }
0x5b: {  	v22 =	vor.u32 v21, v22;
	_ =	sdelay $0x4  }
0x5c: {  	[tilespmem:v22+s11+$0x0] =	vst.idx.add.f32.msk $0xffff, v3  }
0x5d: {  	v22 =	vld [tilespmem:s20+$0x40];
	_ =	sdelay $0x4  }
0x5e: {  	v22 =	vmul.f32 $2.550000000e+02, v22;
	_ =	sdelay $0x1  }
0x5f: {  	v22 =	vmul.f32 $1.003921630e+00, v22;
	_ =	sdelay $0x1  }
0x60: {  	v22 =	vtrunc.f32 v22  }
0x61: {  	v22 =	vcvt.f32.s32 v22;
	_ =	sdelay $0x1  }
0x62: {  	vm12 =	vgt.s32 v22, $0x0  }
0x63: {  	v22 =	vnsel vm12, $0x0, v22  }
0x64: {  	v22 =	vmin.u32 v22, $0xFF  }
0x65: {  	v22 =	vshll.u32 v22, $0x4  }
0x66: {  	v22 =	vor.u32 v21, v22;
	_ =	sdelay $0x4  }
0x67: {  	[tilespmem:v22+s11+$0x0] =	vst.idx.add.f32.msk $0xffff, v3  }
0x68: {  	v22 =	vld [tilespmem:s20+$0x50];
	_ =	sdelay $0x4  }
0x69: {  	v22 =	vmul.f32 $2.550000000e+02, v22;
	_ =	sdelay $0x1  }
0x6a: {  	v22 =	vmul.f32 $1.003921630e+00, v22;
	_ =	sdelay $0x1  }
0x6b: {  	v22 =	vtrunc.f32 v22  }
0x6c: {  	v22 =	vcvt.f32.s32 v22;
	_ =	sdelay $0x1  }
0x6d: {  	vm13 =	vgt.s32 v22, $0x0  }
0x6e: {  	v22 =	vnsel vm13, $0x0, v22  }
0x6f: {  	v22 =	vmin.u32 v22, $0xFF  }
0x70: {  	v22 =	vshll.u32 v22, $0x4  }
0x71: {  	v22 =	vor.u32 v21, v22;
	_ =	sdelay $0x4  }
0x72: {  	[tilespmem:v22+s11+$0x0] =	vst.idx.add.f32.msk $0xffff, v3  }
0x73: {  	v22 =	vld [tilespmem:s20+$0x60];
	_ =	sdelay $0x4  }
0x74: {  	v22 =	vmul.f32 $2.550000000e+02, v22;
	_ =	sdelay $0x1  }
0x75: {  	v22 =	vmul.f32 $1.003921630e+00, v22;
	_ =	sdelay $0x1  }
0x76: {  	v22 =	vtrunc.f32 v22  }
0x77: {  	v22 =	vcvt.f32.s32 v22;
	_ =	sdelay $0x1  }
0x78: {  	vm14 =	vgt.s32 v22, $0x0  }
0x79: {  	v22 =	vnsel vm14, $0x0, v22  }
0x7a: {  	v22 =	vmin.u32 v22, $0xFF  }
0x7b: {  	v22 =	vshll.u32 v22, $0x4  }
0x7c: {  	v22 =	vor.u32 v21, v22;
	_ =	sdelay $0x4  }
0x7d: {  	[tilespmem:v22+s11+$0x0] =	vst.idx.add.f32.msk $0xffff, v3  }
0x7e: {  	v22 =	vld [tilespmem:s20+$0x70];
	_ =	sdelay $0x4  }
0x7f: {  	v22 =	vmul.f32 $2.550000000e+02, v22;
	_ =	sdelay $0x1  }
0x80: {  	v22 =	vmul.f32 $1.003921630e+00, v22;
	_ =	sdelay $0x1  }
0x81: {  	v22 =	vtrunc.f32 v22  }
0x82: {  	v22 =	vcvt.f32.s32 v22;
	_ =	sdelay $0x1  }
0x83: {  	vm15 =	vgt.s32 v22, $0x0  }
0x84: {  	v22 =	vnsel vm15, $0x0, v22  }
0x85: {  	v22 =	vmin.u32 v22, $0xFF  }
0x86: {  	v22 =	vshll.u32 v22, $0x4  }
0x87: {  	p0 =	sne.s32 s19, $0x1FC00;
	v22 =	vor.u32 v21, v22  }
.Ltmp3:
0x88: {  	_ = 	snop;
	(pc) =	sbr.rel @p0 .LBB2_9-.Ltmp3, $2  }
0x89: {  	_ =	sdelay $0x2  }
0x8a: {  	s19 =	sadd.s32 $0x400, s19;
	[tilespmem:v22+s11+$0x0] =	vst.idx.add.f32.msk $0xffff, v3  }
0x8b: {  	s19 =	sshll.u32 s18, $0xF  }
0x8c: {  	s20 =	sadd.s32 s19, s6  }
0x8d: {  	s20 =	sshrl.u32 s20, $0x3  }
0x8e: {  	s21 =	simm.s32 $0x0;
	s20 =	sadd.s32 s2, s20  }
0x8f: {  	s22 =	simm.s32 $0x10;
	s23 =	simm.s32 $0x100;
	s24 =	sadd.s32 $0x0, s20  }
.LBB2_11:
0x90: {  	[tilespmem:s21], [sflag:$0x1] =	stream.linear.gather [hbm4b:s24+s3], $0x80, $0x38;
	[tilespmem:$0xB300] =	vst v63  }
0x91: {  	s24 =	smov.u32 s22;
	s21 =	smov.u32 s23;
	p0 =	sne.s32 s22, $0x7F0  }
.Ltmp4:
0x92: {  	s22 =	sadd.s32 $0x10, s22;
	(pc) =	sbr.rel @p0 .LBB2_11-.Ltmp4, $2  }
0x93: {  	_ =	sdelay $0x2  }
0x94: {  	s23 =	sadd.s32 $0x100, s23;
	s24 =	sadd.s32 s24, s20  }
0x95: {  	[tilespmem:s21], [sflag:$0x1] =	stream.linear.gather [hbm4b:s24+s3], $0x80, $0x38;
	[tilespmem:$0xB300] =	vst v63  }
0x96: {  	_ =	swait.ge [sflag:s12], $0x4000  }
0x97: {  	[sflag:s12] =	ssyncset.done $0x0  }
0x98: {  	s20 =	simm.s32 $0x0;
	[sflag:s12] =	ssyncadd.s32 $0xFFFFC000  }
.LBB2_13:
0x99: {  	s21 =	sshra.s32 s20, $0x2  }
0x9a: {  	v22 =	vld [tilespmem:s21+$0x80];
	_ =	sdelay $0x4  }
0x9b: {  	v22 =	vmul.f32 $2.550000000e+02, v22;
	_ =	sdelay $0x1  }
0x9c: {  	v22 =	vmul.f32 $1.003921630e+00, v22;
	_ =	sdelay $0x1  }
0x9d: {  	v22 =	vtrunc.f32 v22  }
0x9e: {  	v22 =	vcvt.f32.s32 v22;
	_ =	sdelay $0x1  }
0x9f: {  	vm0 =	vgt.s32 v22, $0x0  }
0xa0: {  	v22 =	vnsel vm0, $0x0, v22  }
0xa1: {  	v22 =	vmin.u32 v22, $0xFF  }
0xa2: {  	v22 =	vshll.u32 v22, $0x4  }
0xa3: {  	v22 =	vor.u32 v21, v22;
	_ =	sdelay $0x4  }
0xa4: {  	[tilespmem:v22+s11+$0x0] =	vst.idx.add.f32.msk $0xffff, v3  }
0xa5: {  	v22 =	vld [tilespmem:s21+$0x90];
	_ =	sdelay $0x4  }
0xa6: {  	v22 =	vmul.f32 $2.550000000e+02, v22;
	_ =	sdelay $0x1  }
0xa7: {  	v22 =	vmul.f32 $1.003921630e+00, v22;
	_ =	sdelay $0x1  }
0xa8: {  	v22 =	vtrunc.f32 v22  }
0xa9: {  	v22 =	vcvt.f32.s32 v22;
	_ =	sdelay $0x1  }
0xaa: {  	vm9 =	vgt.s32 v22, $0x0  }
0xab: {  	v22 =	vnsel vm9, $0x0, v22  }
0xac: {  	v22 =	vmin.u32 v22, $0xFF  }
0xad: {  	v22 =	vshll.u32 v22, $0x4  }
0xae: {  	v22 =	vor.u32 v21, v22;
	_ =	sdelay $0x4  }
0xaf: {  	[tilespmem:v22+s11+$0x0] =	vst.idx.add.f32.msk $0xffff, v3  }
0xb0: {  	v22 =	vld [tilespmem:s21+$0xA0];
	_ =	sdelay $0x4  }
0xb1: {  	v22 =	vmul.f32 $2.550000000e+02, v22;
	_ =	sdelay $0x1  }
0xb2: {  	v22 =	vmul.f32 $1.003921630e+00, v22;
	_ =	sdelay $0x1  }
0xb3: {  	v22 =	vtrunc.f32 v22  }
0xb4: {  	v22 =	vcvt.f32.s32 v22;
	_ =	sdelay $0x1  }
0xb5: {  	vm10 =	vgt.s32 v22, $0x0  }
0xb6: {  	v22 =	vnsel vm10, $0x0, v22  }
0xb7: {  	v22 =	vmin.u32 v22, $0xFF  }
0xb8: {  	v22 =	vshll.u32 v22, $0x4  }
0xb9: {  	v22 =	vor.u32 v21, v22;
	_ =	sdelay $0x4  }
0xba: {  	[tilespmem:v22+s11+$0x0] =	vst.idx.add.f32.msk $0xffff, v3  }
0xbb: {  	v22 =	vld [tilespmem:s21+$0xB0];
	_ =	sdelay $0x4  }
0xbc: {  	v22 =	vmul.f32 $2.550000000e+02, v22;
	_ =	sdelay $0x1  }
0xbd: {  	v22 =	vmul.f32 $1.003921630e+00, v22;
	_ =	sdelay $0x1  }
0xbe: {  	v22 =	vtrunc.f32 v22  }
0xbf: {  	v22 =	vcvt.f32.s32 v22;
	_ =	sdelay $0x1  }
0xc0: {  	vm11 =	vgt.s32 v22, $0x0  }
0xc1: {  	v22 =	vnsel vm11, $0x0, v22  }
0xc2: {  	v22 =	vmin.u32 v22, $0xFF  }
0xc3: {  	v22 =	vshll.u32 v22, $0x4  }
0xc4: {  	v22 =	vor.u32 v21, v22;
	_ =	sdelay $0x4  }
0xc5: {  	[tilespmem:v22+s11+$0x0] =	vst.idx.add.f32.msk $0xffff, v3  }
0xc6: {  	v22 =	vld [tilespmem:s21+$0xC0];
	_ =	sdelay $0x4  }
0xc7: {  	v22 =	vmul.f32 $2.550000000e+02, v22;
	_ =	sdelay $0x1  }
0xc8: {  	v22 =	vmul.f32 $1.003921630e+00, v22;
	_ =	sdelay $0x1  }
0xc9: {  	v22 =	vtrunc.f32 v22  }
0xca: {  	v22 =	vcvt.f32.s32 v22;
	_ =	sdelay $0x1  }
0xcb: {  	vm12 =	vgt.s32 v22, $0x0  }
0xcc: {  	v22 =	vnsel vm12, $0x0, v22  }
0xcd: {  	v22 =	vmin.u32 v22, $0xFF  }
0xce: {  	v22 =	vshll.u32 v22, $0x4  }
0xcf: {  	v22 =	vor.u32 v21, v22;
	_ =	sdelay $0x4  }
0xd0: {  	[tilespmem:v22+s11+$0x0] =	vst.idx.add.f32.msk $0xffff, v3  }
0xd1: {  	v22 =	vld [tilespmem:s21+$0xD0];
	_ =	sdelay $0x4  }
0xd2: {  	v22 =	vmul.f32 $2.550000000e+02, v22;
	_ =	sdelay $0x1  }
0xd3: {  	v22 =	vmul.f32 $1.003921630e+00, v22;
	_ =	sdelay $0x1  }
0xd4: {  	v22 =	vtrunc.f32 v22  }
0xd5: {  	v22 =	vcvt.f32.s32 v22;
	_ =	sdelay $0x1  }
0xd6: {  	vm13 =	vgt.s32 v22, $0x0  }
0xd7: {  	v22 =	vnsel vm13, $0x0, v22  }
0xd8: {  	v22 =	vmin.u32 v22, $0xFF  }
0xd9: {  	v22 =	vshll.u32 v22, $0x4  }
0xda: {  	v22 =	vor.u32 v21, v22;
	_ =	sdelay $0x4  }
0xdb: {  	[tilespmem:v22+s11+$0x0] =	vst.idx.add.f32.msk $0xffff, v3  }
0xdc: {  	v22 =	vld [tilespmem:s21+$0xE0];
	_ =	sdelay $0x4  }
0xdd: {  	v22 =	vmul.f32 $2.550000000e+02, v22;
	_ =	sdelay $0x1  }
0xde: {  	v22 =	vmul.f32 $1.003921630e+00, v22;
	_ =	sdelay $0x1  }
0xdf: {  	v22 =	vtrunc.f32 v22  }
0xe0: {  	v22 =	vcvt.f32.s32 v22;
	_ =	sdelay $0x1  }
0xe1: {  	vm14 =	vgt.s32 v22, $0x0  }
0xe2: {  	v22 =	vnsel vm14, $0x0, v22  }
0xe3: {  	v22 =	vmin.u32 v22, $0xFF  }
0xe4: {  	v22 =	vshll.u32 v22, $0x4  }
0xe5: {  	v22 =	vor.u32 v21, v22;
	_ =	sdelay $0x4  }
0xe6: {  	[tilespmem:v22+s11+$0x0] =	vst.idx.add.f32.msk $0xffff, v3  }
0xe7: {  	v22 =	vld [tilespmem:s21+$0xF0];
	_ =	sdelay $0x4  }
0xe8: {  	v22 =	vmul.f32 $2.550000000e+02, v22;
	_ =	sdelay $0x1  }
0xe9: {  	v22 =	vmul.f32 $1.003921630e+00, v22;
	_ =	sdelay $0x1  }
0xea: {  	v22 =	vtrunc.f32 v22  }
0xeb: {  	v22 =	vcvt.f32.s32 v22;
	_ =	sdelay $0x1  }
0xec: {  	vm15 =	vgt.s32 v22, $0x0  }
0xed: {  	v22 =	vnsel vm15, $0x0, v22  }
0xee: {  	v22 =	vmin.u32 v22, $0xFF  }
0xef: {  	v22 =	vshll.u32 v22, $0x4  }
0xf0: {  	p0 =	sne.s32 s20, $0x1FC00;
	v22 =	vor.u32 v21, v22  }
.Ltmp5:
0xf1: {  	_ = 	snop;
	(pc) =	sbr.rel @p0 .LBB2_13-.Ltmp5, $2  }
0xf2: {  	_ =	sdelay $0x2  }
0xf3: {  	s20 =	sadd.s32 $0x400, s20;
	[tilespmem:v22+s11+$0x0] =	vst.idx.add.f32.msk $0xffff, v3  }
0xf4: {  	s19 =	sadd.s32 s19, s7  }
0xf5: {  	s19 =	sshrl.u32 s19, $0x3  }
0xf6: {  	s20 =	simm.s32 $0x80;
	s19 =	sadd.s32 s2, s19  }
0xf7: {  	s21 =	simm.s32 $0x10;
	s22 =	simm.s32 $0x180;
	s23 =	sadd.s32 $0x0, s19  }
.LBB2_15:
0xf8: {  	[tilespmem:s20], [sflag:$0x2] =	stream.linear.gather [hbm4b:s23+s3], $0x80, $0x38;
	[tilespmem:$0xB300] =	vst v63  }
0xf9: {  	s23 =	smov.u32 s21;
	s20 =	smov.u32 s22;
	p0 =	sne.s32 s21, $0x7F0  }
.Ltmp6:
0xfa: {  	s21 =	sadd.s32 $0x10, s21;
	(pc) =	sbr.rel @p0 .LBB2_15-.Ltmp6, $2  }
0xfb: {  	_ =	sdelay $0x2  }
0xfc: {  	s22 =	sadd.s32 $0x100, s22;
	s23 =	sadd.s32 s23, s19  }
0xfd: {  	s18 =	sadd.s32 $0x1, s18  }
0xfe: {  	p0 =	sne.s32 s18, $0x17  }
.Ltmp7:
0xff: {  	_ = 	snop;
	(pc) =	sbr.rel @p0 .LBB2_8-.Ltmp7, $2  }
0x100: {  	_ =	sdelay $0x2  }
0x101: {  	[tilespmem:s20], [sflag:$0x2] =	stream.linear.gather [hbm4b:s23+s3], $0x80, $0x38;
	[tilespmem:$0xB300] =	vst v63  }
0x102: {  	_ =	swait.ge [sflag:s10], $0x4000  }
0x103: {  	[sflag:s10] =	ssyncset.done $0x0  }
0x104: {  	s18 =	simm.s32 $0x0;
	[sflag:s10] =	ssyncadd.s32 $0xFFFFC000  }
.LBB2_18:
0x105: {  	s19 =	sshra.s32 s18, $0x2  }
0x106: {  	v21 =	vld [tilespmem:s19+$0x0];
	_ =	sdelay $0x4  }
0x107: {  	v21 =	vmul.f32 $2.550000000e+02, v21;
	_ =	sdelay $0x1  }
0x108: {  	v21 =	vmul.f32 $1.003921630e+00, v21;
	_ =	sdelay $0x1  }
0x109: {  	v21 =	vtrunc.f32 v21  }
0x10a: {  	v21 =	vcvt.f32.s32 v21;
	_ =	sdelay $0x1  }
0x10b: {  	vm0 =	vgt.s32 v21, $0x0  }
0x10c: {  	v21 =	vnsel vm0, $0x0, v21  }
0x10d: {  	v21 =	vmin.u32 v21, $0xFF  }
0x10e: {  	v21 =	vshll.u32 v21, $0x4  }
0x10f: {  	v21 =	vor.u32 v4, v21;
	_ =	sdelay $0x4  }
0x110: {  	[tilespmem:v21+s11+$0x0] =	vst.idx.add.f32.msk $0xffff, v3  }
0x111: {  	v21 =	vld [tilespmem:s19+$0x10];
	_ =	sdelay $0x4  }
0x112: {  	v21 =	vmul.f32 $2.550000000e+02, v21;
	_ =	sdelay $0x1  }
0x113: {  	v21 =	vmul.f32 $1.003921630e+00, v21;
	_ =	sdelay $0x1  }
0x114: {  	v21 =	vtrunc.f32 v21  }
0x115: {  	v21 =	vcvt.f32.s32 v21;
	_ =	sdelay $0x1  }
0x116: {  	vm9 =	vgt.s32 v21, $0x0  }
0x117: {  	v21 =	vnsel vm9, $0x0, v21  }
0x118: {  	v21 =	vmin.u32 v21, $0xFF  }
0x119: {  	v21 =	vshll.u32 v21, $0x4  }
0x11a: {  	v21 =	vor.u32 v4, v21;
	_ =	sdelay $0x4  }
0x11b: {  	[tilespmem:v21+s11+$0x0] =	vst.idx.add.f32.msk $0xffff, v3  }
0x11c: {  	v21 =	vld [tilespmem:s19+$0x20];
	_ =	sdelay $0x4  }
0x11d: {  	v21 =	vmul.f32 $2.550000000e+02, v21;
	_ =	sdelay $0x1  }
0x11e: {  	v21 =	vmul.f32 $1.003921630e+00, v21;
	_ =	sdelay $0x1  }
0x11f: {  	v21 =	vtrunc.f32 v21  }
0x120: {  	v21 =	vcvt.f32.s32 v21;
	_ =	sdelay $0x1  }
0x121: {  	vm10 =	vgt.s32 v21, $0x0  }
0x122: {  	v21 =	vnsel vm10, $0x0, v21  }
0x123: {  	v21 =	vmin.u32 v21, $0xFF  }
0x124: {  	v21 =	vshll.u32 v21, $0x4  }
0x125: {  	v21 =	vor.u32 v4, v21;
	_ =	sdelay $0x4  }
0x126: {  	[tilespmem:v21+s11+$0x0] =	vst.idx.add.f32.msk $0xffff, v3  }
0x127: {  	v21 =	vld [tilespmem:s19+$0x30];
	_ =	sdelay $0x4  }
0x128: {  	v21 =	vmul.f32 $2.550000000e+02, v21;
	_ =	sdelay $0x1  }
0x129: {  	v21 =	vmul.f32 $1.003921630e+00, v21;
	_ =	sdelay $0x1  }
0x12a: {  	v21 =	vtrunc.f32 v21  }
0x12b: {  	v21 =	vcvt.f32.s32 v21;
	_ =	sdelay $0x1  }
0x12c: {  	vm11 =	vgt.s32 v21, $0x0  }
0x12d: {  	v21 =	vnsel vm11, $0x0, v21  }
0x12e: {  	v21 =	vmin.u32 v21, $0xFF  }
0x12f: {  	v21 =	vshll.u32 v21, $0x4  }
0x130: {  	v21 =	vor.u32 v4, v21;
	_ =	sdelay $0x4  }
0x131: {  	[tilespmem:v21+s11+$0x0] =	vst.idx.add.f32.msk $0xffff, v3  }
0x132: {  	v21 =	vld [tilespmem:s19+$0x40];
	_ =	sdelay $0x4  }
0x133: {  	v21 =	vmul.f32 $2.550000000e+02, v21;
	_ =	sdelay $0x1  }
0x134: {  	v21 =	vmul.f32 $1.003921630e+00, v21;
	_ =	sdelay $0x1  }
0x135: {  	v21 =	vtrunc.f32 v21  }
0x136: {  	v21 =	vcvt.f32.s32 v21;
	_ =	sdelay $0x1  }
0x137: {  	vm12 =	vgt.s32 v21, $0x0  }
0x138: {  	v21 =	vnsel vm12, $0x0, v21  }
0x139: {  	v21 =	vmin.u32 v21, $0xFF  }
0x13a: {  	v21 =	vshll.u32 v21, $0x4  }
0x13b: {  	v21 =	vor.u32 v4, v21;
	_ =	sdelay $0x4  }
0x13c: {  	[tilespmem:v21+s11+$0x0] =	vst.idx.add.f32.msk $0xffff, v3  }
0x13d: {  	v21 =	vld [tilespmem:s19+$0x50];
	_ =	sdelay $0x4  }
0x13e: {  	v21 =	vmul.f32 $2.550000000e+02, v21;
	_ =	sdelay $0x1  }
0x13f: {  	v21 =	vmul.f32 $1.003921630e+00, v21;
	_ =	sdelay $0x1  }
0x140: {  	v21 =	vtrunc.f32 v21  }
0x141: {  	v21 =	vcvt.f32.s32 v21;
	_ =	sdelay $0x1  }
0x142: {  	vm13 =	vgt.s32 v21, $0x0  }
0x143: {  	v21 =	vnsel vm13, $0x0, v21  }
0x144: {  	v21 =	vmin.u32 v21, $0xFF  }
0x145: {  	v21 =	vshll.u32 v21, $0x4  }
0x146: {  	v21 =	vor.u32 v4, v21;
	_ =	sdelay $0x4  }
0x147: {  	[tilespmem:v21+s11+$0x0] =	vst.idx.add.f32.msk $0xffff, v3  }
0x148: {  	v21 =	vld [tilespmem:s19+$0x60];
	_ =	sdelay $0x4  }
0x149: {  	v21 =	vmul.f32 $2.550000000e+02, v21;
	_ =	sdelay $0x1  }
0x14a: {  	v21 =	vmul.f32 $1.003921630e+00, v21;
	_ =	sdelay $0x1  }
0x14b: {  	v21 =	vtrunc.f32 v21  }
0x14c: {  	v21 =	vcvt.f32.s32 v21;
	_ =	sdelay $0x1  }
0x14d: {  	vm14 =	vgt.s32 v21, $0x0  }
0x14e: {  	v21 =	vnsel vm14, $0x0, v21  }
0x14f: {  	v21 =	vmin.u32 v21, $0xFF  }
0x150: {  	v21 =	vshll.u32 v21, $0x4  }
0x151: {  	v21 =	vor.u32 v4, v21;
	_ =	sdelay $0x4  }
0x152: {  	[tilespmem:v21+s11+$0x0] =	vst.idx.add.f32.msk $0xffff, v3  }
0x153: {  	v21 =	vld [tilespmem:s19+$0x70];
	_ =	sdelay $0x4  }
0x154: {  	v21 =	vmul.f32 $2.550000000e+02, v21;
	_ =	sdelay $0x1  }
0x155: {  	v21 =	vmul.f32 $1.003921630e+00, v21;
	_ =	sdelay $0x1  }
0x156: {  	v21 =	vtrunc.f32 v21  }
0x157: {  	v21 =	vcvt.f32.s32 v21;
	_ =	sdelay $0x1  }
0x158: {  	vm15 =	vgt.s32 v21, $0x0  }
0x159: {  	v21 =	vnsel vm15, $0x0, v21  }
0x15a: {  	v21 =	vmin.u32 v21, $0xFF  }
0x15b: {  	v21 =	vshll.u32 v21, $0x4  }
0x15c: {  	p0 =	sne.s32 s18, $0x1FC00;
	v21 =	vor.u32 v4, v21  }
.Ltmp8:
0x15d: {  	_ = 	snop;
	(pc) =	sbr.rel @p0 .LBB2_18-.Ltmp8, $2  }
0x15e: {  	_ =	sdelay $0x2  }
0x15f: {  	s18 =	sadd.s32 $0x400, s18;
	[tilespmem:v21+s11+$0x0] =	vst.idx.add.f32.msk $0xffff, v3  }
0x160: {  	_ =	swait.ge [sflag:s12], $0x4000  }
0x161: {  	[sflag:s12] =	ssyncset.done $0x0  }
0x162: {  	s18 =	simm.s32 $0x0;
	s19 =	simm.s32 $0x0;
	[sflag:s12] =	ssyncadd.s32 $0xFFFFC000  }
.LBB2_20:
0x163: {  	s20 =	sshra.s32 s19, $0x2  }
0x164: {  	v21 =	vld [tilespmem:s20+$0x80];
	_ =	sdelay $0x4  }
0x165: {  	v21 =	vmul.f32 $2.550000000e+02, v21;
	_ =	sdelay $0x1  }
0x166: {  	v21 =	vmul.f32 $1.003921630e+00, v21;
	_ =	sdelay $0x1  }
0x167: {  	v21 =	vtrunc.f32 v21  }
0x168: {  	v21 =	vcvt.f32.s32 v21;
	_ =	sdelay $0x1  }
0x169: {  	vm0 =	vgt.s32 v21, $0x0  }
0x16a: {  	v21 =	vnsel vm0, $0x0, v21  }
0x16b: {  	v21 =	vmin.u32 v21, $0xFF  }
0x16c: {  	v21 =	vshll.u32 v21, $0x4  }
0x16d: {  	v21 =	vor.u32 v4, v21;
	_ =	sdelay $0x4  }
0x16e: {  	[tilespmem:v21+s11+$0x0] =	vst.idx.add.f32.msk $0xffff, v3  }
0x16f: {  	v21 =	vld [tilespmem:s20+$0x90];
	_ =	sdelay $0x4  }
0x170: {  	v21 =	vmul.f32 $2.550000000e+02, v21;
	_ =	sdelay $0x1  }
0x171: {  	v21 =	vmul.f32 $1.003921630e+00, v21;
	_ =	sdelay $0x1  }
0x172: {  	v21 =	vtrunc.f32 v21  }
0x173: {  	v21 =	vcvt.f32.s32 v21;
	_ =	sdelay $0x1  }
0x174: {  	vm9 =	vgt.s32 v21, $0x0  }
0x175: {  	v21 =	vnsel vm9, $0x0, v21  }
0x176: {  	v21 =	vmin.u32 v21, $0xFF  }
0x177: {  	v21 =	vshll.u32 v21, $0x4  }
0x178: {  	v21 =	vor.u32 v4, v21;
	_ =	sdelay $0x4  }
0x179: {  	[tilespmem:v21+s11+$0x0] =	vst.idx.add.f32.msk $0xffff, v3  }
0x17a: {  	v21 =	vld [tilespmem:s20+$0xA0];
	_ =	sdelay $0x4  }
0x17b: {  	v21 =	vmul.f32 $2.550000000e+02, v21;
	_ =	sdelay $0x1  }
0x17c: {  	v21 =	vmul.f32 $1.003921630e+00, v21;
	_ =	sdelay $0x1  }
0x17d: {  	v21 =	vtrunc.f32 v21  }
0x17e: {  	v21 =	vcvt.f32.s32 v21;
	_ =	sdelay $0x1  }
0x17f: {  	vm10 =	vgt.s32 v21, $0x0  }
0x180: {  	v21 =	vnsel vm10, $0x0, v21  }
0x181: {  	v21 =	vmin.u32 v21, $0xFF  }
0x182: {  	v21 =	vshll.u32 v21, $0x4  }
0x183: {  	v21 =	vor.u32 v4, v21;
	_ =	sdelay $0x4  }
0x184: {  	[tilespmem:v21+s11+$0x0] =	vst.idx.add.f32.msk $0xffff, v3  }
0x185: {  	v21 =	vld [tilespmem:s20+$0xB0];
	_ =	sdelay $0x4  }
0x186: {  	v21 =	vmul.f32 $2.550000000e+02, v21;
	_ =	sdelay $0x1  }
0x187: {  	v21 =	vmul.f32 $1.003921630e+00, v21;
	_ =	sdelay $0x1  }
0x188: {  	v21 =	vtrunc.f32 v21  }
0x189: {  	v21 =	vcvt.f32.s32 v21;
	_ =	sdelay $0x1  }
0x18a: {  	vm11 =	vgt.s32 v21, $0x0  }
0x18b: {  	v21 =	vnsel vm11, $0x0, v21  }
0x18c: {  	v21 =	vmin.u32 v21, $0xFF  }
0x18d: {  	v21 =	vshll.u32 v21, $0x4  }
0x18e: {  	v21 =	vor.u32 v4, v21;
	_ =	sdelay $0x4  }
0x18f: {  	[tilespmem:v21+s11+$0x0] =	vst.idx.add.f32.msk $0xffff, v3  }
0x190: {  	v21 =	vld [tilespmem:s20+$0xC0];
	_ =	sdelay $0x4  }
0x191: {  	v21 =	vmul.f32 $2.550000000e+02, v21;
	_ =	sdelay $0x1  }
0x192: {  	v21 =	vmul.f32 $1.003921630e+00, v21;
	_ =	sdelay $0x1  }
0x193: {  	v21 =	vtrunc.f32 v21  }
0x194: {  	v21 =	vcvt.f32.s32 v21;
	_ =	sdelay $0x1  }
0x195: {  	vm12 =	vgt.s32 v21, $0x0  }
0x196: {  	v21 =	vnsel vm12, $0x0, v21  }
0x197: {  	v21 =	vmin.u32 v21, $0xFF  }
0x198: {  	v21 =	vshll.u32 v21, $0x4  }
0x199: {  	v21 =	vor.u32 v4, v21;
	_ =	sdelay $0x4  }
0x19a: {  	[tilespmem:v21+s11+$0x0] =	vst.idx.add.f32.msk $0xffff, v3  }
0x19b: {  	v21 =	vld [tilespmem:s20+$0xD0];
	_ =	sdelay $0x4  }
0x19c: {  	v21 =	vmul.f32 $2.550000000e+02, v21;
	_ =	sdelay $0x1  }
0x19d: {  	v21 =	vmul.f32 $1.003921630e+00, v21;
	_ =	sdelay $0x1  }
0x19e: {  	v21 =	vtrunc.f32 v21  }
0x19f: {  	v21 =	vcvt.f32.s32 v21;
	_ =	sdelay $0x1  }
0x1a0: {  	vm13 =	vgt.s32 v21, $0x0  }
0x1a1: {  	v21 =	vnsel vm13, $0x0, v21  }
0x1a2: {  	v21 =	vmin.u32 v21, $0xFF  }
0x1a3: {  	v21 =	vshll.u32 v21, $0x4  }
0x1a4: {  	v21 =	vor.u32 v4, v21;
	_ =	sdelay $0x4  }
0x1a5: {  	[tilespmem:v21+s11+$0x0] =	vst.idx.add.f32.msk $0xffff, v3  }
0x1a6: {  	v21 =	vld [tilespmem:s20+$0xE0];
	_ =	sdelay $0x4  }
0x1a7: {  	v21 =	vmul.f32 $2.550000000e+02, v21;
	_ =	sdelay $0x1  }
0x1a8: {  	v21 =	vmul.f32 $1.003921630e+00, v21;
	_ =	sdelay $0x1  }
0x1a9: {  	v21 =	vtrunc.f32 v21  }
0x1aa: {  	v21 =	vcvt.f32.s32 v21;
	_ =	sdelay $0x1  }
0x1ab: {  	vm14 =	vgt.s32 v21, $0x0  }
0x1ac: {  	v21 =	vnsel vm14, $0x0, v21  }
0x1ad: {  	v21 =	vmin.u32 v21, $0xFF  }
0x1ae: {  	v21 =	vshll.u32 v21, $0x4  }
0x1af: {  	v21 =	vor.u32 v4, v21;
	_ =	sdelay $0x4  }
0x1b0: {  	[tilespmem:v21+s11+$0x0] =	vst.idx.add.f32.msk $0xffff, v3  }
0x1b1: {  	v21 =	vld [tilespmem:s20+$0xF0];
	_ =	sdelay $0x4  }
0x1b2: {  	v21 =	vmul.f32 $2.550000000e+02, v21;
	_ =	sdelay $0x1  }
0x1b3: {  	v21 =	vmul.f32 $1.003921630e+00, v21;
	_ =	sdelay $0x1  }
0x1b4: {  	v21 =	vtrunc.f32 v21  }
0x1b5: {  	v21 =	vcvt.f32.s32 v21;
	_ =	sdelay $0x1  }
0x1b6: {  	vm15 =	vgt.s32 v21, $0x0  }
0x1b7: {  	v21 =	vnsel vm15, $0x0, v21  }
0x1b8: {  	v21 =	vmin.u32 v21, $0xFF  }
0x1b9: {  	v21 =	vshll.u32 v21, $0x4  }
0x1ba: {  	p0 =	sne.s32 s19, $0x1FC00;
	v21 =	vor.u32 v4, v21  }
.Ltmp9:
0x1bb: {  	_ = 	snop;
	(pc) =	sbr.rel @p0 .LBB2_20-.Ltmp9, $2  }
0x1bc: {  	_ =	sdelay $0x2  }
0x1bd: {  	s19 =	sadd.s32 $0x400, s19;
	[tilespmem:v21+s11+$0x0] =	vst.idx.add.f32.msk $0xffff, v3  }
0x1be: {  	v21 =	vor.u32 s18, v2;
	v22 =	vor.u32 s18, v6  }
0x1bf: {  	v21 =	vand.u32 v5, v21;
	_ =	sdelay $0x1  }
0x1c0: {  	v23 =	vor.u32 s18, v7;
	_ =	sdelay $0x1  }
0x1c1: {  	v24 =	vor.u32 s18, v8;
	v22 =	vld.idx.msk [tilespmem:v22+s11+$0x0], $0xffff  }
0x1c2: {  	v21 =	vld.idx.msk [tilespmem:v21+s11+$0x0], $0xffff  }
0x1c3: {  	v25 =	vor.u32 s18, v9  }
0x1c4: {  	v23 =	vld.idx.msk [tilespmem:v23+s11+$0x0], $0xffff  }
0x1c5: {  	v26 =	vor.u32 s18, v10  }
0x1c6: {  	v24 =	vld.idx.msk [tilespmem:v24+s11+$0x0], $0xffff  }
0x1c7: {  	v27 =	vor.u32 s18, v11;
	v21 =	vadd.f32 v22, v21  }
0x1c8: {  	v22 =	vld.idx.msk [tilespmem:v25+s11+$0x0], $0xffff  }
0x1c9: {  	v25 =	vor.u32 s18, v12;
	v21 =	vadd.f32 v23, v21  }
0x1ca: {  	v23 =	vld.idx.msk [tilespmem:v26+s11+$0x0], $0xffff  }
0x1cb: {  	v26 =	vor.u32 s18, v13;
	v21 =	vadd.f32 v24, v21  }
0x1cc: {  	v24 =	vld.idx.msk [tilespmem:v27+s11+$0x0], $0xffff  }
0x1cd: {  	v27 =	vor.u32 s18, v14;
	v21 =	vadd.f32 v22, v21  }
0x1ce: {  	v22 =	vld.idx.msk [tilespmem:v25+s11+$0x0], $0xffff  }
0x1cf: {  	v25 =	vor.u32 s18, v15;
	v21 =	vadd.f32 v23, v21  }
0x1d0: {  	v23 =	vld.idx.msk [tilespmem:v26+s11+$0x0], $0xffff  }
0x1d1: {  	v26 =	vor.u32 s18, v16;
	v21 =	vadd.f32 v24, v21  }
0x1d2: {  	v24 =	vld.idx.msk [tilespmem:v27+s11+$0x0], $0xffff  }
0x1d3: {  	v27 =	vor.u32 s18, v17;
	v21 =	vadd.f32 v22, v21  }
0x1d4: {  	v22 =	vld.idx.msk [tilespmem:v25+s11+$0x0], $0xffff  }
0x1d5: {  	v25 =	vor.u32 s18, v18;
	v21 =	vadd.f32 v23, v21  }
0x1d6: {  	v23 =	vld.idx.msk [tilespmem:v26+s11+$0x0], $0xffff  }
0x1d7: {  	v26 =	vor.u32 s18, v19;
	v21 =	vadd.f32 v24, v21  }
0x1d8: {  	v24 =	vld.idx.msk [tilespmem:v27+s11+$0x0], $0xffff  }
0x1d9: {  	v27 =	vor.u32 s18, v20;
	v21 =	vadd.f32 v22, v21  }
0x1da: {  	v22 =	vld.idx.msk [tilespmem:v25+s11+$0x0], $0xffff  }
0x1db: {  	v21 =	vadd.f32 v23, v21  }
0x1dc: {  	v23 =	vld.idx.msk [tilespmem:v26+s11+$0x0], $0xffff  }
0x1dd: {  	v21 =	vadd.f32 v24, v21  }
0x1de: {  	v24 =	vld.idx.msk [tilespmem:v27+s11+$0x0], $0xffff  }
0x1df: {  	v21 =	vadd.f32 v22, v21  }
0x1e0: {  	s19 =	simm.s32 $0x100  }
0x1e1: {  	v25 =	vor.u32 s19, v6;
	v22 =	vor.u32 s19, v2;
	v21 =	vadd.f32 v23, v21  }
0x1e2: {  	v22 =	vand.u32 v5, v22  }
0x1e3: {  	v21 =	vadd.f32 v24, v21  }
0x1e4: {  	s18 =	simm.s32 $0xB000;
	v23 =	vor.u32 s19, v7  }
0x1e5: {  	[tilespmem:s18+$0x0] =	vst v21  }
0x1e6: {  	v24 =	vor.u32 s19, v8;
	v21 =	vld.idx.msk [tilespmem:v25+s11+$0x0], $0xffff  }
0x1e7: {  	v22 =	vld.idx.msk [tilespmem:v22+s11+$0x0], $0xffff  }
0x1e8: {  	v25 =	vor.u32 s19, v9  }
0x1e9: {  	v23 =	vld.idx.msk [tilespmem:v23+s11+$0x0], $0xffff  }
0x1ea: {  	v26 =	vor.u32 s19, v10  }
0x1eb: {  	v24 =	vld.idx.msk [tilespmem:v24+s11+$0x0], $0xffff  }
0x1ec: {  	v27 =	vor.u32 s19, v11;
	v21 =	vadd.f32 v21, v22  }
0x1ed: {  	v22 =	vld.idx.msk [tilespmem:v25+s11+$0x0], $0xffff  }
0x1ee: {  	v25 =	vor.u32 s19, v12;
	v21 =	vadd.f32 v23, v21  }
0x1ef: {  	v23 =	vld.idx.msk [tilespmem:v26+s11+$0x0], $0xffff  }
0x1f0: {  	v26 =	vor.u32 s19, v13;
	v21 =	vadd.f32 v24, v21  }
0x1f1: {  	v24 =	vld.idx.msk [tilespmem:v27+s11+$0x0], $0xffff  }
0x1f2: {  	v27 =	vor.u32 s19, v14;
	v21 =	vadd.f32 v22, v21  }
0x1f3: {  	v22 =	vld.idx.msk [tilespmem:v25+s11+$0x0], $0xffff  }
0x1f4: {  	v25 =	vor.u32 s19, v15;
	v21 =	vadd.f32 v23, v21  }
0x1f5: {  	v23 =	vld.idx.msk [tilespmem:v26+s11+$0x0], $0xffff  }
0x1f6: {  	v26 =	vor.u32 s19, v16;
	v21 =	vadd.f32 v24, v21  }
0x1f7: {  	v24 =	vld.idx.msk [tilespmem:v27+s11+$0x0], $0xffff  }
0x1f8: {  	v21 =	vadd.f32 v22, v21  }
0x1f9: {  	v27 =	vor.u32 s19, v17;
	v22 =	vld.idx.msk [tilespmem:v25+s11+$0x0], $0xffff  }
0x1fa: {  	v21 =	vadd.f32 v23, v21  }
0x1fb: {  	v25 =	vor.u32 s19, v18;
	v23 =	vld.idx.msk [tilespmem:v26+s11+$0x0], $0xffff  }
0x1fc: {  	v21 =	vadd.f32 v24, v21;
	_ =	sdelay $0x1  }
0x1fd: {  	v26 =	vor.u32 s19, v19;
	v24 =	vld.idx.msk [tilespmem:v27+s11+$0x0], $0xffff;
	v21 =	vadd.f32 v22, v21;
	_ =	sdelay $0x1  }
0x1fe: {  	v22 =	vld.idx.msk [tilespmem:v25+s11+$0x0], $0xffff;
	v21 =	vadd.f32 v23, v21;
	v23 =	vor.u32 s19, v20;
	_ =	sdelay $0x2  }
0x1ff: {  	v25 =	vld.idx.msk [tilespmem:v26+s11+$0x0], $0xffff;
	v21 =	vadd.f32 v24, v21;
	_ =	sdelay $0x1  }
0x200: {  	v24 =	vadd.f32 v22, v21;
	v22 =	vld.idx.msk [tilespmem:v23+s11+$0x0], $0xffff;
	_ =	sdelay $0x1  }
0x201: {  	s19 =	simm.s32 $0x200  }
0x202: {  	s20 =	simm.s32 $0x300;
	v21 =	vor.u32 s19, v6;
	v23 =	vor.u32 s19, v2;
	v24 =	vadd.f32 v25, v24  }
.LBB2_22:
0x203: {  	p0 =	sne.s32 s20, $0x2F00;
	v23 =	vand.u32 v5, v23  }
0x204: {  	v22 =	vadd.f32 v22, v24  }
0x205: {  	s18 =	sadd.s32 $0x10, s18;
	v24 =	vor.u32 s19, v7  }
0x206: {  	[tilespmem:s18+$0x0] =	vst v22  }
0x207: {  	v22 =	vor.u32 s19, v8;
	v21 =	vld.idx.msk [tilespmem:v21+s11+$0x0], $0xffff  }
0x208: {  	v23 =	vld.idx.msk [tilespmem:v23+s11+$0x0], $0xffff  }
0x209: {  	v25 =	vor.u32 s19, v9  }
0x20a: {  	v24 =	vld.idx.msk [tilespmem:v24+s11+$0x0], $0xffff  }
0x20b: {  	v26 =	vor.u32 s19, v10  }
0x20c: {  	v22 =	vld.idx.msk [tilespmem:v22+s11+$0x0], $0xffff  }
0x20d: {  	v27 =	vor.u32 s19, v11  }
0x20e: {  	v21 =	vadd.f32 v21, v23;
	v23 =	vld.idx.msk [tilespmem:v25+s11+$0x0], $0xffff  }
0x20f: {  	v25 =	vor.u32 s19, v12  }
0x210: {  	v21 =	vadd.f32 v24, v21;
	v24 =	vld.idx.msk [tilespmem:v26+s11+$0x0], $0xffff  }
0x211: {  	v26 =	vor.u32 s19, v13  }
0x212: {  	v21 =	vadd.f32 v22, v21;
	v22 =	vld.idx.msk [tilespmem:v27+s11+$0x0], $0xffff  }
0x213: {  	v27 =	vor.u32 s19, v14  }
0x214: {  	v21 =	vadd.f32 v23, v21;
	v23 =	vld.idx.msk [tilespmem:v25+s11+$0x0], $0xffff  }
0x215: {  	v25 =	vor.u32 s19, v15  }
0x216: {  	v21 =	vadd.f32 v24, v21;
	v24 =	vld.idx.msk [tilespmem:v26+s11+$0x0], $0xffff  }
0x217: {  	v26 =	vor.u32 s19, v16  }
0x218: {  	v21 =	vadd.f32 v22, v21;
	v22 =	vld.idx.msk [tilespmem:v27+s11+$0x0], $0xffff  }
0x219: {  	v27 =	vor.u32 s19, v17  }
0x21a: {  	v21 =	vadd.f32 v23, v21;
	v23 =	vld.idx.msk [tilespmem:v25+s11+$0x0], $0xffff  }
0x21b: {  	v25 =	vor.u32 s19, v18  }
0x21c: {  	v21 =	vadd.f32 v24, v21;
	v24 =	vld.idx.msk [tilespmem:v26+s11+$0x0], $0xffff  }
0x21d: {  	v26 =	vor.u32 s19, v19  }
0x21e: {  	v21 =	vadd.f32 v22, v21;
	v22 =	vld.idx.msk [tilespmem:v27+s11+$0x0], $0xffff  }
0x21f: {  	v27 =	vor.u32 s19, v20;
	s19 =	smov.u32 s20  }
0x220: {  	v21 =	vadd.f32 v23, v21;
	v23 =	vld.idx.msk [tilespmem:v25+s11+$0x0], $0xffff;
	_ =	sdelay $0x1  }
0x221: {  	v21 =	vadd.f32 v24, v21;
	v24 =	vld.idx.msk [tilespmem:v26+s11+$0x0], $0xffff;
	_ =	sdelay $0x1  }
.Ltmp10:
0x222: {  	v21 =	vadd.f32 v22, v21;
	v22 =	vld.idx.msk [tilespmem:v27+s11+$0x0], $0xffff;
	(pc) =	sbr.rel @p0 .LBB2_22-.Ltmp10, $3  }
0x223: {  	_ = 	snop  }
0x224: {  	v25 =	vadd.f32 v23, v21;
	_ =	sdelay $0x1  }
0x225: {  	s20 =	sadd.s32 $0x100, s20;
	v23 =	vor.u32 s19, v2;
	v21 =	vor.u32 s19, v6;
	v24 =	vadd.f32 v24, v25  }
0x226: {  	v23 =	vand.u32 v5, v23  }
0x227: {  	v22 =	vadd.f32 v22, v24  }
0x228: {  	v50 =	vor.u32 s19, v7;
	s18 =	sadd.s32 $0x10, s18  }
0x229: {  	[tilespmem:s18+$0x0] =	vst v22  }
0x22a: {  	v22 =	vor.u32 s19, v8;
	v21 =	vld.idx.msk [tilespmem:v21+s11+$0x0], $0xffff  }
0x22b: {  	v23 =	vld.idx.msk [tilespmem:v23+s11+$0x0], $0xffff  }
0x22c: {  	v25 =	vor.u32 s19, v9  }
0x22d: {  	v24 =	vld.idx.msk [tilespmem:v50+s11+$0x0], $0xffff  }
0x22e: {  	v26 =	vor.u32 s19, v10  }
0x22f: {  	v22 =	vld.idx.msk [tilespmem:v22+s11+$0x0], $0xffff  }
0x230: {  	v27 =	vor.u32 s19, v11;
	v21 =	vadd.f32 v21, v23  }
0x231: {  	v23 =	vld.idx.msk [tilespmem:v25+s11+$0x0], $0xffff  }
0x232: {  	v51 =	vor.u32 s19, v12;
	v21 =	vadd.f32 v24, v21  }
0x233: {  	v52 =	vld.idx.msk [tilespmem:v26+s11+$0x0], $0xffff  }
0x234: {  	v53 =	vor.u32 s19, v13;
	v21 =	vadd.f32 v22, v21  }
0x235: {  	v22 =	vld.idx.msk [tilespmem:v27+s11+$0x0], $0xffff  }
0x236: {  	v54 =	vor.u32 s19, v14;
	v21 =	vadd.f32 v23, v21  }
0x237: {  	v23 =	vld.idx.msk [tilespmem:v51+s11+$0x0], $0xffff  }
0x238: {  	v55 =	vor.u32 s19, v15;
	v21 =	vadd.f32 v52, v21  }
0x239: {  	v56 =	vld.idx.msk [tilespmem:v53+s11+$0x0], $0xffff  }
0x23a: {  	v57 =	vor.u32 s19, v16;
	v21 =	vadd.f32 v22, v21  }
0x23b: {  	v22 =	vld.idx.msk [tilespmem:v54+s11+$0x0], $0xffff  }
0x23c: {  	v58 =	vor.u32 s19, v17;
	v21 =	vadd.f32 v23, v21  }
0x23d: {  	v23 =	vld.idx.msk [tilespmem:v55+s11+$0x0], $0xffff  }
0x23e: {  	v59 =	vor.u32 s19, v18;
	v21 =	vadd.f32 v56, v21  }
0x23f: {  	v60 =	vld.idx.msk [tilespmem:v57+s11+$0x0], $0xffff  }
0x240: {  	v61 =	vor.u32 s19, v19;
	v21 =	vadd.f32 v22, v21  }
0x241: {  	v22 =	vld.idx.msk [tilespmem:v58+s11+$0x0], $0xffff  }
0x242: {  	v62 =	vor.u32 s19, v20;
	v21 =	vadd.f32 v23, v21  }
0x243: {  	v23 =	vld.idx.msk [tilespmem:v59+s11+$0x0], $0xffff  }
0x244: {  	v21 =	vadd.f32 v60, v21  }
0x245: {  	v63 =	vld.idx.msk [tilespmem:v61+s11+$0x0], $0xffff  }
0x246: {  	v21 =	vadd.f32 v22, v21  }
0x247: {  	v22 =	vld.idx.msk [tilespmem:v62+s11+$0x0], $0xffff  }
0x248: {  	v21 =	vadd.f32 v23, v21;
	_ =	sdelay $0x1  }
0x249: {  	v21 =	vadd.f32 v63, v21;
	_ =	sdelay $0x1  }
0x24a: {  	s17 =	sadd.s32 $0x1, s17;
	v21 =	vadd.f32 v22, v21  }
0x24b: {  	p0 =	sne.s32 s17, s9;
	s18 =	sadd.s32 $0x10, s18  }
.Ltmp11:
0x24c: {  	[tilespmem:s18+$0x0] =	vst v21;
	(pc) =	sbr.rel @p0 .LBB2_1-.Ltmp11, $4  }
0x24d: {  	[hbm4b:s8+s13] =	stream.strided.scatter [tilespmem:s15], [sflag:$0x3], $0x300, s14, s13, $0x38;
	[tilespmem:$0xB300] =	vst v63  }
0x24e: {  	_ =	swait.ge [sflag:s16], $0x300  }
0x24f: {  	[sflag:s16] =	ssyncset.done $0x0  }
0x250: {  	[sflag:s16] =	ssyncadd.s32 $0xFFFFFD00  }
0x251: {  	_ =	sfence.sel $0x180000  }
0x252: {  	[bflag:$0x0] =	sbarrier.arrive $0xFFFF  }
0x253: {  	p0 =	sne.s32 s0, $0x0;
	_ =	strace $0x90000047  }
0x254: {  	s0 =	sadd.s32 @!p0 $0x100000, s1;
	[bflag:$0x2] =	sbarrier.arrive $0xFFFF  }
0x255: {  	[sflag:s0] =	ssyncadd.tile.s32 @!p0 $0x1;
	_ =	shalt  }
.Lfunc_end2:
_tile_overlayer_lowered:
.L_overlay_start_2:
0x256: {  	(tag) =	ssettag $0x2  }
0x257: {  	s0 =	rddreg [dreg:$0x0];
	s2 =	stileid.u32  }
0x258: {  	s1 =	rddreg [dreg:$0x1];
	p0 =	sne.s32 s2, $0x0  }
0x259: {  	s3 =	rddreg [dreg:$0x2];
	[bflag:$0x3] =	sbarrier.arrive $0xFFFF;
	s2 =	simm.s32 @!p0 $0x1C03  }
0x25a: {  	[timem:s3], [sflag:s2] =	dma.local @!p0 [hbm:s0], s1  }
0x25b: {  	s0 =	simm.s32 @!p0 $0x3  }
0x25c: {  	_ =	swait.ge @!p0 [sflag:s0], s1  }
0x25d: {  	s1 =	ssub.s32 @!p0 $0x0, s1;
	[sflag:s0] =	ssyncset.done @!p0 $0x0  }
0x25e: {  	[sflag:s0] =	ssyncadd.s32 @!p0 s1  }
0x25f: {  	[bflag:$0x3] =	sbarrier.arrive $0xFFFF  }
0x260: {  	_ =	shalt  }

</sc_bundles>
